<compile_context>
chip_gen: v7x
topology: tpu7x:2x2x1
jax: 0.10.2.dev20260603
libtpu: 0.0.44.dev20260713+nightly
codegen_flags: <defaults>
</compile_context>

<pallas_src>
import functools

import jax
import jax.numpy as jnp
from jax import lax
from jax.experimental import pallas as pl
from jax.experimental.pallas import tpu as pltpu
from jax.experimental.pallas import tpu_sc as plsc

V = 1000000
D = 32
B = 16384

NC = 2
NS = 16
L = 16
NW = NC * NS
BPW = B // NW
CHUNK = 128
NCHUNK = BPW // CHUNK
NBLK = BPW // L

_mesh = plsc.VectorSubcoreMesh(core_axis_name="c", subcore_axis_name="s")


@functools.partial(
    pl.kernel,
    mesh=_mesh,
    out_type=jax.ShapeDtypeStruct((NW, L), jnp.float32),
    scratch_types=[
        pltpu.VMEM((BPW,), jnp.int32),
        pltpu.VMEM((BPW,), jnp.int32),
        pltpu.VMEM((BPW,), jnp.int32),
        pltpu.VMEM((BPW, D), jnp.float32),
        pltpu.VMEM((BPW, D), jnp.float32),
        pltpu.VMEM((BPW, D), jnp.float32),
        pltpu.VMEM((L,), jnp.float32),
        pltpu.SemaphoreType.DMA,
    ],
    compiler_params=pltpu.CompilerParams(
        needs_layout_passes=False, use_tc_tiling_on_sc=False
    ),
)
def _sc_dots(iword, owords, nwords, emb_i, emb_o, part_hbm,
             iidx, oidx, nidx, ivec, ovec, nvec, part_v, sem):
    wid = lax.axis_index("s") * NC + lax.axis_index("c")
    base = wid * BPW

    pltpu.sync_copy(iword.at[pl.ds(base, BPW)], iidx)
    pltpu.sync_copy(owords.at[pl.ds(base, BPW)], oidx)
    pltpu.sync_copy(nwords.at[pl.ds(base, BPW)], nidx)

    copies = []
    for j in range(NCHUNK):
        sl = pl.ds(j * CHUNK, CHUNK)
        copies.append(pltpu.async_copy(emb_i.at[iidx.at[sl]], ivec.at[sl], sem))
        copies.append(pltpu.async_copy(emb_o.at[oidx.at[sl]], ovec.at[sl], sem))
        copies.append(pltpu.async_copy(emb_o.at[nidx.at[sl]], nvec.at[sl], sem))
    for c in copies:
        c.wait()

    lanes = lax.broadcasted_iota(jnp.int32, (L,), 0)

    def _log_sigmoid(x):
        t = jnp.exp(-jnp.abs(x))
        s = t / (t + 2.0)
        s2 = s * s
        p = 1.0 + s2 * (1.0 / 3.0 + s2 * (1.0 / 5.0 + s2 * (1.0 / 7.0 + s2 * (1.0 / 9.0))))
        return jnp.minimum(x, 0.0) - 2.0 * s * p

    def blk_body(b, part):
        acc_o = jnp.zeros((L,), jnp.float32)
        acc_n = jnp.zeros((L,), jnp.float32)
        for k in range(L):
            r = b * L + k
            iv0 = ivec[r, pl.ds(0, L)]
            iv1 = ivec[r, pl.ds(L, L)]
            ov0 = ovec[r, pl.ds(0, L)]
            ov1 = ovec[r, pl.ds(L, L)]
            nv0 = nvec[r, pl.ds(0, L)]
            nv1 = nvec[r, pl.ds(L, L)]
            so = jnp.sum(iv0 * ov0 + iv1 * ov1)
            sn = jnp.sum(iv0 * nv0 + iv1 * nv1)
            acc_o = jnp.where(lanes == k, so, acc_o)
            acc_n = jnp.where(lanes == k, sn, acc_n)
        return part + _log_sigmoid(acc_o) + _log_sigmoid(-acc_n)

    part = lax.fori_loop(0, NBLK, blk_body, jnp.zeros((L,), jnp.float32))
    part_v[...] = part
    pltpu.sync_copy(part_v, part_hbm.at[wid])


def _loss_body(part_ref, out_ref):
    out_ref[0, 0] = -jnp.sum(part_ref[...]) / B


_tc_loss = pl.pallas_call(
    _loss_body,
    out_shape=jax.ShapeDtypeStruct((1, 1), jnp.float32),
    out_specs=pl.BlockSpec(memory_space=pltpu.SMEM),
)


def kernel(iword, owords, nwords, emb_i, emb_o):
    iword = iword.astype(jnp.int32)
    owords = owords.astype(jnp.int32)
    nwords = nwords.astype(jnp.int32)
    parts = _sc_dots(iword, owords, nwords, emb_i, emb_o)
    out = _tc_loss(parts)
    return out[0, 0]

# --- scband reference (transcript-rebuilt; emitter-appended) ---
"""Pipeline reference for scband-negative-sampling-17746804867327 (READ-ONLY COPY).

The authoritative reference and input builder live on the scoring server;
editing this copy changes nothing except your own understanding.
"""

import jax, jax.numpy as jnp
import numpy as np

V = 1000000
D = 32
B = 16384

def setup_inputs(seed: int = 0) -> dict:
    key = jax.random.key(seed)
    k1, k2, k3, k4, k5 = jax.random.split(key, 5)
    iword = jax.random.randint(k1, (B,), 0, V)
    owords = jax.random.randint(k2, (B,), 0, V)
    nwords = jax.random.randint(k3, (B,), 0, V)
    emb_i = jax.random.normal(k4, (V, D), dtype=jnp.float32) * 0.01
    emb_o = jax.random.normal(k5, (V, D), dtype=jnp.float32) * 0.01
    return {"iword": iword, "owords": owords, "nwords": nwords, "emb_i": emb_i, "emb_o": emb_o}

def reference(iword, owords, nwords, emb_i, emb_o):
    # word2vec dual-embedding lookup: forward_i -> emb_i, forward_o -> emb_o
    ivectors = jnp.take(emb_i, iword, axis=0)
    ovectors = jnp.take(emb_o, owords, axis=0)
    nvectors = jnp.take(emb_o, nwords, axis=0)
    oloss = jax.nn.log_sigmoid(jnp.sum(ovectors * ivectors, axis=1))
    nloss = jax.nn.log_sigmoid(-jnp.sum(nvectors * ivectors, axis=1))
    return -jnp.mean(oloss + nloss)

if __name__ == "__main__":
    import jax
    _d = setup_inputs()
    print(jax.jit(kernel)(*tuple(_d.values())))

</pallas_src>

<mosaic_0001>
#map = affine_map<(d0, d1) -> (0)>
#map1 = affine_map<(d0, d1) -> (0, 0)>
module attributes {stable_mosaic.version = 14 : i64} {
  func.func @_sc_dots(%arg0: i32, %arg1: i32, %arg2: memref<16384xi32, #tpu.memory_space<hbm>>, %arg3: memref<16384xi32, #tpu.memory_space<hbm>>, %arg4: memref<16384xi32, #tpu.memory_space<hbm>>, %arg5: memref<1000000x32xf32, #tpu.memory_space<hbm>>, %arg6: memref<1000000x32xf32, #tpu.memory_space<hbm>>, %arg7: memref<32x16xf32, #tpu.memory_space<hbm>>, %arg8: memref<512xi32, #tpu.memory_space<vmem>>, %arg9: memref<512xi32, #tpu.memory_space<vmem>>, %arg10: memref<512xi32, #tpu.memory_space<vmem>>, %arg11: memref<512x32xf32, #tpu.memory_space<vmem>>, %arg12: memref<512x32xf32, #tpu.memory_space<vmem>>, %arg13: memref<512x32xf32, #tpu.memory_space<vmem>>, %arg14: memref<16xf32, #tpu.memory_space<vmem>>, %arg15: memref<!tpu.dma_semaphore, #tpu.memory_space<semaphore_mem>>) attributes {dimension_semantics = [#tpu.dimension_semantics<core_parallel>, #tpu.dimension_semantics<subcore_parallel>], iteration_bounds = array<i64: 2, 16>, scalar_prefetch = 0 : i64, scratch_operands = 8 : i64, tpu.core_type = #tpu.core_type<sc_vector_subcore>, window_params = [{transform_indices = #map}, {transform_indices = #map}, {transform_indices = #map}, {transform_indices = #map1}, {transform_indices = #map1}, {transform_indices = #map1}]} {
    %mul3A = arith.constant 2 : i32
    %mul3A_0 = arith.muli %arg1, %mul3A : i32
    %add3A = arith.addi %mul3A_0, %arg0 : i32
    %mul3A_1 = arith.constant 512 : i32
    %mul3A_2 = arith.muli %add3A, %mul3A_1 : i32
    "tpu.region"() ({
      %run_scoped3A = tpu.sem_alloc : memref<!tpu.dma_semaphore, #tpu.memory_space<semaphore_mem>>
      %dma_start3A_200 = tpu.memref_slice %arg2[%mul3A_2] : memref<16384xi32, #tpu.memory_space<hbm>> -> memref<512xi32, #tpu.memory_space<hbm>>
      %dma_start3A_201 = tpu.memref_slice %arg2[%mul3A_2] : memref<16384xi32, #tpu.memory_space<hbm>> -> memref<512xi32, #tpu.memory_space<hbm>>
      tpu.enqueue_dma source(%dma_start3A_201 : memref<512xi32, #tpu.memory_space<hbm>>) target(%arg8 : memref<512xi32, #tpu.memory_space<vmem>>) target_semaphore(%run_scoped3A : memref<!tpu.dma_semaphore, #tpu.memory_space<semaphore_mem>>)
      %dma_wait3A_202 = tpu.memref_slice %arg2[%mul3A_2] : memref<16384xi32, #tpu.memory_space<hbm>> -> memref<512xi32, #tpu.memory_space<hbm>>
      %dma_wait3A_203 = tpu.memref_slice %arg2[%mul3A_2] : memref<16384xi32, #tpu.memory_space<hbm>> -> memref<512xi32, #tpu.memory_space<hbm>>
      tpu.wait_dma2 semaphore(%run_scoped3A : memref<!tpu.dma_semaphore, #tpu.memory_space<semaphore_mem>>) src(%dma_wait3A_203 : memref<512xi32, #tpu.memory_space<hbm>>) dst(%arg8 : memref<512xi32, #tpu.memory_space<vmem>>)
      tpu.yield
    }) : () -> ()
    "tpu.region"() ({
      %run_scoped3A = tpu.sem_alloc : memref<!tpu.dma_semaphore, #tpu.memory_space<semaphore_mem>>
      %dma_start3A_200 = tpu.memref_slice %arg3[%mul3A_2] : memref<16384xi32, #tpu.memory_space<hbm>> -> memref<512xi32, #tpu.memory_space<hbm>>
      %dma_start3A_201 = tpu.memref_slice %arg3[%mul3A_2] : memref<16384xi32, #tpu.memory_space<hbm>> -> memref<512xi32, #tpu.memory_space<hbm>>
      tpu.enqueue_dma source(%dma_start3A_201 : memref<512xi32, #tpu.memory_space<hbm>>) target(%arg9 : memref<512xi32, #tpu.memory_space<vmem>>) target_semaphore(%run_scoped3A : memref<!tpu.dma_semaphore, #tpu.memory_space<semaphore_mem>>)
      %dma_wait3A_202 = tpu.memref_slice %arg3[%mul3A_2] : memref<16384xi32, #tpu.memory_space<hbm>> -> memref<512xi32, #tpu.memory_space<hbm>>
      %dma_wait3A_203 = tpu.memref_slice %arg3[%mul3A_2] : memref<16384xi32, #tpu.memory_space<hbm>> -> memref<512xi32, #tpu.memory_space<hbm>>
      tpu.wait_dma2 semaphore(%run_scoped3A : memref<!tpu.dma_semaphore, #tpu.memory_space<semaphore_mem>>) src(%dma_wait3A_203 : memref<512xi32, #tpu.memory_space<hbm>>) dst(%arg9 : memref<512xi32, #tpu.memory_space<vmem>>)
      tpu.yield
    }) : () -> ()
    "tpu.region"() ({
      %run_scoped3A = tpu.sem_alloc : memref<!tpu.dma_semaphore, #tpu.memory_space<semaphore_mem>>
      %dma_start3A_200 = tpu.memref_slice %arg4[%mul3A_2] : memref<16384xi32, #tpu.memory_space<hbm>> -> memref<512xi32, #tpu.memory_space<hbm>>
      %dma_start3A_201 = tpu.memref_slice %arg4[%mul3A_2] : memref<16384xi32, #tpu.memory_space<hbm>> -> memref<512xi32, #tpu.memory_space<hbm>>
      tpu.enqueue_dma source(%dma_start3A_201 : memref<512xi32, #tpu.memory_space<hbm>>) target(%arg10 : memref<512xi32, #tpu.memory_space<vmem>>) target_semaphore(%run_scoped3A : memref<!tpu.dma_semaphore, #tpu.memory_space<semaphore_mem>>)
      %dma_wait3A_202 = tpu.memref_slice %arg4[%mul3A_2] : memref<16384xi32, #tpu.memory_space<hbm>> -> memref<512xi32, #tpu.memory_space<hbm>>
      %dma_wait3A_203 = tpu.memref_slice %arg4[%mul3A_2] : memref<16384xi32, #tpu.memory_space<hbm>> -> memref<512xi32, #tpu.memory_space<hbm>>
      tpu.wait_dma2 semaphore(%run_scoped3A : memref<!tpu.dma_semaphore, #tpu.memory_space<semaphore_mem>>) src(%dma_wait3A_203 : memref<512xi32, #tpu.memory_space<hbm>>) dst(%arg10 : memref<512xi32, #tpu.memory_space<vmem>>)
      tpu.yield
    }) : () -> ()
    %dma_start3A = arith.constant 0 : i32
    %dma_start3A_3 = arith.constant 0 : i32
    %dma_start3A_4 = tpu.memref_slice %arg11[%dma_start3A, %dma_start3A_3] : memref<512x32xf32, #tpu.memory_space<vmem>> -> memref<128x32xf32, #tpu.memory_space<vmem>>
    %dma_start3A_5 = arith.constant 0 : i32
    %dma_start3A_6 = tpu.memref_slice %arg8[%dma_start3A_5] : memref<512xi32, #tpu.memory_space<vmem>> -> memref<128xi32, #tpu.memory_space<vmem>>
    %dma_start3A_7 = arith.constant 0 : i32
    %dma_start3A_8 = arith.constant 0 : i32
    %dma_start3A_9 = tpu.memref_slice %arg5[%dma_start3A_7, %dma_start3A_8] : memref<1000000x32xf32, #tpu.memory_space<hbm>> -> memref<1000000x32xf32, #tpu.memory_space<hbm>>
    tpu.enqueue_indirect_dma source(%dma_start3A_9 : memref<1000000x32xf32, #tpu.memory_space<hbm>>) target(%dma_start3A_4 : memref<128x32xf32, #tpu.memory_space<vmem>>) offsets(%dma_start3A_6 : memref<128xi32, #tpu.memory_space<vmem>>) semaphore(%arg15 : memref<!tpu.dma_semaphore, #tpu.memory_space<semaphore_mem>>)
    %dma_start3A_10 = arith.constant 0 : i32
    %dma_start3A_11 = arith.constant 0 : i32
    %dma_start3A_12 = tpu.memref_slice %arg12[%dma_start3A_10, %dma_start3A_11] : memref<512x32xf32, #tpu.memory_space<vmem>> -> memref<128x32xf32, #tpu.memory_space<vmem>>
    %dma_start3A_13 = arith.constant 0 : i32
    %dma_start3A_14 = tpu.memref_slice %arg9[%dma_start3A_13] : memref<512xi32, #tpu.memory_space<vmem>> -> memref<128xi32, #tpu.memory_space<vmem>>
    %dma_start3A_15 = arith.constant 0 : i32
    %dma_start3A_16 = arith.constant 0 : i32
    %dma_start3A_17 = tpu.memref_slice %arg6[%dma_start3A_15, %dma_start3A_16] : memref<1000000x32xf32, #tpu.memory_space<hbm>> -> memref<1000000x32xf32, #tpu.memory_space<hbm>>
    tpu.enqueue_indirect_dma source(%dma_start3A_17 : memref<1000000x32xf32, #tpu.memory_space<hbm>>) target(%dma_start3A_12 : memref<128x32xf32, #tpu.memory_space<vmem>>) offsets(%dma_start3A_14 : memref<128xi32, #tpu.memory_space<vmem>>) semaphore(%arg15 : memref<!tpu.dma_semaphore, #tpu.memory_space<semaphore_mem>>)
    %dma_start3A_18 = arith.constant 0 : i32
    %dma_start3A_19 = arith.constant 0 : i32
    %dma_start3A_20 = tpu.memref_slice %arg13[%dma_start3A_18, %dma_start3A_19] : memref<512x32xf32, #tpu.memory_space<vmem>> -> memref<128x32xf32, #tpu.memory_space<vmem>>
    %dma_start3A_21 = arith.constant 0 : i32
    %dma_start3A_22 = tpu.memref_slice %arg10[%dma_start3A_21] : memref<512xi32, #tpu.memory_space<vmem>> -> memref<128xi32, #tpu.memory_space<vmem>>
    %dma_start3A_23 = arith.constant 0 : i32
    %dma_start3A_24 = arith.constant 0 : i32
    %dma_start3A_25 = tpu.memref_slice %arg6[%dma_start3A_23, %dma_start3A_24] : memref<1000000x32xf32, #tpu.memory_space<hbm>> -> memref<1000000x32xf32, #tpu.memory_space<hbm>>
    tpu.enqueue_indirect_dma source(%dma_start3A_25 : memref<1000000x32xf32, #tpu.memory_space<hbm>>) target(%dma_start3A_20 : memref<128x32xf32, #tpu.memory_space<vmem>>) offsets(%dma_start3A_22 : memref<128xi32, #tpu.memory_space<vmem>>) semaphore(%arg15 : memref<!tpu.dma_semaphore, #tpu.memory_space<semaphore_mem>>)
    %dma_start3A_26 = arith.constant 128 : i32
    %dma_start3A_27 = arith.constant 0 : i32
    %dma_start3A_28 = tpu.memref_slice %arg11[%dma_start3A_26, %dma_start3A_27] : memref<512x32xf32, #tpu.memory_space<vmem>> -> memref<128x32xf32, #tpu.memory_space<vmem>>
    %dma_start3A_29 = arith.constant 128 : i32
    %dma_start3A_30 = tpu.memref_slice %arg8[%dma_start3A_29] : memref<512xi32, #tpu.memory_space<vmem>> -> memref<128xi32, #tpu.memory_space<vmem>>
    %dma_start3A_31 = arith.constant 0 : i32
    %dma_start3A_32 = arith.constant 0 : i32
    %dma_start3A_33 = tpu.memref_slice %arg5[%dma_start3A_31, %dma_start3A_32] : memref<1000000x32xf32, #tpu.memory_space<hbm>> -> memref<1000000x32xf32, #tpu.memory_space<hbm>>
    tpu.enqueue_indirect_dma source(%dma_start3A_33 : memref<1000000x32xf32, #tpu.memory_space<hbm>>) target(%dma_start3A_28 : memref<128x32xf32, #tpu.memory_space<vmem>>) offsets(%dma_start3A_30 : memref<128xi32, #tpu.memory_space<vmem>>) semaphore(%arg15 : memref<!tpu.dma_semaphore, #tpu.memory_space<semaphore_mem>>)
    %dma_start3A_34 = arith.constant 128 : i32
    %dma_start3A_35 = arith.constant 0 : i32
    %dma_start3A_36 = tpu.memref_slice %arg12[%dma_start3A_34, %dma_start3A_35] : memref<512x32xf32, #tpu.memory_space<vmem>> -> memref<128x32xf32, #tpu.memory_space<vmem>>
    %dma_start3A_37 = arith.constant 128 : i32
    %dma_start3A_38 = tpu.memref_slice %arg9[%dma_start3A_37] : memref<512xi32, #tpu.memory_space<vmem>> -> memref<128xi32, #tpu.memory_space<vmem>>
    %dma_start3A_39 = arith.constant 0 : i32
    %dma_start3A_40 = arith.constant 0 : i32
    %dma_start3A_41 = tpu.memref_slice %arg6[%dma_start3A_39, %dma_start3A_40] : memref<1000000x32xf32, #tpu.memory_space<hbm>> -> memref<1000000x32xf32, #tpu.memory_space<hbm>>
    tpu.enqueue_indirect_dma source(%dma_start3A_41 : memref<1000000x32xf32, #tpu.memory_space<hbm>>) target(%dma_start3A_36 : memref<128x32xf32, #tpu.memory_space<vmem>>) offsets(%dma_start3A_38 : memref<128xi32, #tpu.memory_space<vmem>>) semaphore(%arg15 : memref<!tpu.dma_semaphore, #tpu.memory_space<semaphore_mem>>)
    %dma_start3A_42 = arith.constant 128 : i32
    %dma_start3A_43 = arith.constant 0 : i32
    %dma_start3A_44 = tpu.memref_slice %arg13[%dma_start3A_42, %dma_start3A_43] : memref<512x32xf32, #tpu.memory_space<vmem>> -> memref<128x32xf32, #tpu.memory_space<vmem>>
    %dma_start3A_45 = arith.constant 128 : i32
    %dma_start3A_46 = tpu.memref_slice %arg10[%dma_start3A_45] : memref<512xi32, #tpu.memory_space<vmem>> -> memref<128xi32, #tpu.memory_space<vmem>>
    %dma_start3A_47 = arith.constant 0 : i32
    %dma_start3A_48 = arith.constant 0 : i32
    %dma_start3A_49 = tpu.memref_slice %arg6[%dma_start3A_47, %dma_start3A_48] : memref<1000000x32xf32, #tpu.memory_space<hbm>> -> memref<1000000x32xf32, #tpu.memory_space<hbm>>
    tpu.enqueue_indirect_dma source(%dma_start3A_49 : memref<1000000x32xf32, #tpu.memory_space<hbm>>) target(%dma_start3A_44 : memref<128x32xf32, #tpu.memory_space<vmem>>) offsets(%dma_start3A_46 : memref<128xi32, #tpu.memory_space<vmem>>) semaphore(%arg15 : memref<!tpu.dma_semaphore, #tpu.memory_space<semaphore_mem>>)
    %dma_start3A_50 = arith.constant 256 : i32
    %dma_start3A_51 = arith.constant 0 : i32
    %dma_start3A_52 = tpu.memref_slice %arg11[%dma_start3A_50, %dma_start3A_51] : memref<512x32xf32, #tpu.memory_space<vmem>> -> memref<128x32xf32, #tpu.memory_space<vmem>>
    %dma_start3A_53 = arith.constant 256 : i32
    %dma_start3A_54 = tpu.memref_slice %arg8[%dma_start3A_53] : memref<512xi32, #tpu.memory_space<vmem>> -> memref<128xi32, #tpu.memory_space<vmem>>
    %dma_start3A_55 = arith.constant 0 : i32
    %dma_start3A_56 = arith.constant 0 : i32
    %dma_start3A_57 = tpu.memref_slice %arg5[%dma_start3A_55, %dma_start3A_56] : memref<1000000x32xf32, #tpu.memory_space<hbm>> -> memref<1000000x32xf32, #tpu.memory_space<hbm>>
    tpu.enqueue_indirect_dma source(%dma_start3A_57 : memref<1000000x32xf32, #tpu.memory_space<hbm>>) target(%dma_start3A_52 : memref<128x32xf32, #tpu.memory_space<vmem>>) offsets(%dma_start3A_54 : memref<128xi32, #tpu.memory_space<vmem>>) semaphore(%arg15 : memref<!tpu.dma_semaphore, #tpu.memory_space<semaphore_mem>>)
    %dma_start3A_58 = arith.constant 256 : i32
    %dma_start3A_59 = arith.constant 0 : i32
    %dma_start3A_60 = tpu.memref_slice %arg12[%dma_start3A_58, %dma_start3A_59] : memref<512x32xf32, #tpu.memory_space<vmem>> -> memref<128x32xf32, #tpu.memory_space<vmem>>
    %dma_start3A_61 = arith.constant 256 : i32
    %dma_start3A_62 = tpu.memref_slice %arg9[%dma_start3A_61] : memref<512xi32, #tpu.memory_space<vmem>> -> memref<128xi32, #tpu.memory_space<vmem>>
    %dma_start3A_63 = arith.constant 0 : i32
    %dma_start3A_64 = arith.constant 0 : i32
    %dma_start3A_65 = tpu.memref_slice %arg6[%dma_start3A_63, %dma_start3A_64] : memref<1000000x32xf32, #tpu.memory_space<hbm>> -> memref<1000000x32xf32, #tpu.memory_space<hbm>>
    tpu.enqueue_indirect_dma source(%dma_start3A_65 : memref<1000000x32xf32, #tpu.memory_space<hbm>>) target(%dma_start3A_60 : memref<128x32xf32, #tpu.memory_space<vmem>>) offsets(%dma_start3A_62 : memref<128xi32, #tpu.memory_space<vmem>>) semaphore(%arg15 : memref<!tpu.dma_semaphore, #tpu.memory_space<semaphore_mem>>)
    %dma_start3A_66 = arith.constant 256 : i32
    %dma_start3A_67 = arith.constant 0 : i32
    %dma_start3A_68 = tpu.memref_slice %arg13[%dma_start3A_66, %dma_start3A_67] : memref<512x32xf32, #tpu.memory_space<vmem>> -> memref<128x32xf32, #tpu.memory_space<vmem>>
    %dma_start3A_69 = arith.constant 256 : i32
    %dma_start3A_70 = tpu.memref_slice %arg10[%dma_start3A_69] : memref<512xi32, #tpu.memory_space<vmem>> -> memref<128xi32, #tpu.memory_space<vmem>>
    %dma_start3A_71 = arith.constant 0 : i32
    %dma_start3A_72 = arith.constant 0 : i32
    %dma_start3A_73 = tpu.memref_slice %arg6[%dma_start3A_71, %dma_start3A_72] : memref<1000000x32xf32, #tpu.memory_space<hbm>> -> memref<1000000x32xf32, #tpu.memory_space<hbm>>
    tpu.enqueue_indirect_dma source(%dma_start3A_73 : memref<1000000x32xf32, #tpu.memory_space<hbm>>) target(%dma_start3A_68 : memref<128x32xf32, #tpu.memory_space<vmem>>) offsets(%dma_start3A_70 : memref<128xi32, #tpu.memory_space<vmem>>) semaphore(%arg15 : memref<!tpu.dma_semaphore, #tpu.memory_space<semaphore_mem>>)
    %dma_start3A_74 = arith.constant 384 : i32
    %dma_start3A_75 = arith.constant 0 : i32
    %dma_start3A_76 = tpu.memref_slice %arg11[%dma_start3A_74, %dma_start3A_75] : memref<512x32xf32, #tpu.memory_space<vmem>> -> memref<128x32xf32, #tpu.memory_space<vmem>>
    %dma_start3A_77 = arith.constant 384 : i32
    %dma_start3A_78 = tpu.memref_slice %arg8[%dma_start3A_77] : memref<512xi32, #tpu.memory_space<vmem>> -> memref<128xi32, #tpu.memory_space<vmem>>
    %dma_start3A_79 = arith.constant 0 : i32
    %dma_start3A_80 = arith.constant 0 : i32
    %dma_start3A_81 = tpu.memref_slice %arg5[%dma_start3A_79, %dma_start3A_80] : memref<1000000x32xf32, #tpu.memory_space<hbm>> -> memref<1000000x32xf32, #tpu.memory_space<hbm>>
    tpu.enqueue_indirect_dma source(%dma_start3A_81 : memref<1000000x32xf32, #tpu.memory_space<hbm>>) target(%dma_start3A_76 : memref<128x32xf32, #tpu.memory_space<vmem>>) offsets(%dma_start3A_78 : memref<128xi32, #tpu.memory_space<vmem>>) semaphore(%arg15 : memref<!tpu.dma_semaphore, #tpu.memory_space<semaphore_mem>>)
    %dma_start3A_82 = arith.constant 384 : i32
    %dma_start3A_83 = arith.constant 0 : i32
    %dma_start3A_84 = tpu.memref_slice %arg12[%dma_start3A_82, %dma_start3A_83] : memref<512x32xf32, #tpu.memory_space<vmem>> -> memref<128x32xf32, #tpu.memory_space<vmem>>
    %dma_start3A_85 = arith.constant 384 : i32
    %dma_start3A_86 = tpu.memref_slice %arg9[%dma_start3A_85] : memref<512xi32, #tpu.memory_space<vmem>> -> memref<128xi32, #tpu.memory_space<vmem>>
    %dma_start3A_87 = arith.constant 0 : i32
    %dma_start3A_88 = arith.constant 0 : i32
    %dma_start3A_89 = tpu.memref_slice %arg6[%dma_start3A_87, %dma_start3A_88] : memref<1000000x32xf32, #tpu.memory_space<hbm>> -> memref<1000000x32xf32, #tpu.memory_space<hbm>>
    tpu.enqueue_indirect_dma source(%dma_start3A_89 : memref<1000000x32xf32, #tpu.memory_space<hbm>>) target(%dma_start3A_84 : memref<128x32xf32, #tpu.memory_space<vmem>>) offsets(%dma_start3A_86 : memref<128xi32, #tpu.memory_space<vmem>>) semaphore(%arg15 : memref<!tpu.dma_semaphore, #tpu.memory_space<semaphore_mem>>)
    %dma_start3A_90 = arith.constant 384 : i32
    %dma_start3A_91 = arith.constant 0 : i32
    %dma_start3A_92 = tpu.memref_slice %arg13[%dma_start3A_90, %dma_start3A_91] : memref<512x32xf32, #tpu.memory_space<vmem>> -> memref<128x32xf32, #tpu.memory_space<vmem>>
    %dma_start3A_93 = arith.constant 384 : i32
    %dma_start3A_94 = tpu.memref_slice %arg10[%dma_start3A_93] : memref<512xi32, #tpu.memory_space<vmem>> -> memref<128xi32, #tpu.memory_space<vmem>>
    %dma_start3A_95 = arith.constant 0 : i32
    %dma_start3A_96 = arith.constant 0 : i32
    %dma_start3A_97 = tpu.memref_slice %arg6[%dma_start3A_95, %dma_start3A_96] : memref<1000000x32xf32, #tpu.memory_space<hbm>> -> memref<1000000x32xf32, #tpu.memory_space<hbm>>
    tpu.enqueue_indirect_dma source(%dma_start3A_97 : memref<1000000x32xf32, #tpu.memory_space<hbm>>) target(%dma_start3A_92 : memref<128x32xf32, #tpu.memory_space<vmem>>) offsets(%dma_start3A_94 : memref<128xi32, #tpu.memory_space<vmem>>) semaphore(%arg15 : memref<!tpu.dma_semaphore, #tpu.memory_space<semaphore_mem>>)
    %dma_wait3A = arith.constant 0 : i32
    %dma_wait3A_98 = arith.constant 0 : i32
    %dma_wait3A_99 = tpu.memref_slice %arg11[%dma_wait3A, %dma_wait3A_98] : memref<512x32xf32, #tpu.memory_space<vmem>> -> memref<128x32xf32, #tpu.memory_space<vmem>>
    %dma_wait3A_100 = arith.constant 0 : i32
    %dma_wait3A_101 = tpu.memref_slice %arg8[%dma_wait3A_100] : memref<512xi32, #tpu.memory_space<vmem>> -> memref<128xi32, #tpu.memory_space<vmem>>
    %dma_wait3A_102 = arith.constant 0 : i32
    %dma_wait3A_103 = arith.constant 0 : i32
    %dma_wait3A_104 = tpu.memref_slice %arg5[%dma_wait3A_102, %dma_wait3A_103] : memref<1000000x32xf32, #tpu.memory_space<hbm>> -> memref<1000000x32xf32, #tpu.memory_space<hbm>>
    tpu.wait_indirect_dma semaphore(%arg15 : memref<!tpu.dma_semaphore, #tpu.memory_space<semaphore_mem>>) src(%dma_wait3A_104 : memref<1000000x32xf32, #tpu.memory_space<hbm>>) dst(%dma_wait3A_99 : memref<128x32xf32, #tpu.memory_space<vmem>>)
    %dma_wait3A_105 = arith.constant 0 : i32
    %dma_wait3A_106 = arith.constant 0 : i32
    %dma_wait3A_107 = tpu.memref_slice %arg12[%dma_wait3A_105, %dma_wait3A_106] : memref<512x32xf32, #tpu.memory_space<vmem>> -> memref<128x32xf32, #tpu.memory_space<vmem>>
    %dma_wait3A_108 = arith.constant 0 : i32
    %dma_wait3A_109 = tpu.memref_slice %arg9[%dma_wait3A_108] : memref<512xi32, #tpu.memory_space<vmem>> -> memref<128xi32, #tpu.memory_space<vmem>>
    %dma_wait3A_110 = arith.constant 0 : i32
    %dma_wait3A_111 = arith.constant 0 : i32
    %dma_wait3A_112 = tpu.memref_slice %arg6[%dma_wait3A_110, %dma_wait3A_111] : memref<1000000x32xf32, #tpu.memory_space<hbm>> -> memref<1000000x32xf32, #tpu.memory_space<hbm>>
    tpu.wait_indirect_dma semaphore(%arg15 : memref<!tpu.dma_semaphore, #tpu.memory_space<semaphore_mem>>) src(%dma_wait3A_112 : memref<1000000x32xf32, #tpu.memory_space<hbm>>) dst(%dma_wait3A_107 : memref<128x32xf32, #tpu.memory_space<vmem>>)
    %dma_wait3A_113 = arith.constant 0 : i32
    %dma_wait3A_114 = arith.constant 0 : i32
    %dma_wait3A_115 = tpu.memref_slice %arg13[%dma_wait3A_113, %dma_wait3A_114] : memref<512x32xf32, #tpu.memory_space<vmem>> -> memref<128x32xf32, #tpu.memory_space<vmem>>
    %dma_wait3A_116 = arith.constant 0 : i32
    %dma_wait3A_117 = tpu.memref_slice %arg10[%dma_wait3A_116] : memref<512xi32, #tpu.memory_space<vmem>> -> memref<128xi32, #tpu.memory_space<vmem>>
    %dma_wait3A_118 = arith.constant 0 : i32
    %dma_wait3A_119 = arith.constant 0 : i32
    %dma_wait3A_120 = tpu.memref_slice %arg6[%dma_wait3A_118, %dma_wait3A_119] : memref<1000000x32xf32, #tpu.memory_space<hbm>> -> memref<1000000x32xf32, #tpu.memory_space<hbm>>
    tpu.wait_indirect_dma semaphore(%arg15 : memref<!tpu.dma_semaphore, #tpu.memory_space<semaphore_mem>>) src(%dma_wait3A_120 : memref<1000000x32xf32, #tpu.memory_space<hbm>>) dst(%dma_wait3A_115 : memref<128x32xf32, #tpu.memory_space<vmem>>)
    %dma_wait3A_121 = arith.constant 128 : i32
    %dma_wait3A_122 = arith.constant 0 : i32
    %dma_wait3A_123 = tpu.memref_slice %arg11[%dma_wait3A_121, %dma_wait3A_122] : memref<512x32xf32, #tpu.memory_space<vmem>> -> memref<128x32xf32, #tpu.memory_space<vmem>>
    %dma_wait3A_124 = arith.constant 128 : i32
    %dma_wait3A_125 = tpu.memref_slice %arg8[%dma_wait3A_124] : memref<512xi32, #tpu.memory_space<vmem>> -> memref<128xi32, #tpu.memory_space<vmem>>
    %dma_wait3A_126 = arith.constant 0 : i32
    %dma_wait3A_127 = arith.constant 0 : i32
    %dma_wait3A_128 = tpu.memref_slice %arg5[%dma_wait3A_126, %dma_wait3A_127] : memref<1000000x32xf32, #tpu.memory_space<hbm>> -> memref<1000000x32xf32, #tpu.memory_space<hbm>>
    tpu.wait_indirect_dma semaphore(%arg15 : memref<!tpu.dma_semaphore, #tpu.memory_space<semaphore_mem>>) src(%dma_wait3A_128 : memref<1000000x32xf32, #tpu.memory_space<hbm>>) dst(%dma_wait3A_123 : memref<128x32xf32, #tpu.memory_space<vmem>>)
    %dma_wait3A_129 = arith.constant 128 : i32
    %dma_wait3A_130 = arith.constant 0 : i32
    %dma_wait3A_131 = tpu.memref_slice %arg12[%dma_wait3A_129, %dma_wait3A_130] : memref<512x32xf32, #tpu.memory_space<vmem>> -> memref<128x32xf32, #tpu.memory_space<vmem>>
    %dma_wait3A_132 = arith.constant 128 : i32
    %dma_wait3A_133 = tpu.memref_slice %arg9[%dma_wait3A_132] : memref<512xi32, #tpu.memory_space<vmem>> -> memref<128xi32, #tpu.memory_space<vmem>>
    %dma_wait3A_134 = arith.constant 0 : i32
    %dma_wait3A_135 = arith.constant 0 : i32
    %dma_wait3A_136 = tpu.memref_slice %arg6[%dma_wait3A_134, %dma_wait3A_135] : memref<1000000x32xf32, #tpu.memory_space<hbm>> -> memref<1000000x32xf32, #tpu.memory_space<hbm>>
    tpu.wait_indirect_dma semaphore(%arg15 : memref<!tpu.dma_semaphore, #tpu.memory_space<semaphore_mem>>) src(%dma_wait3A_136 : memref<1000000x32xf32, #tpu.memory_space<hbm>>) dst(%dma_wait3A_131 : memref<128x32xf32, #tpu.memory_space<vmem>>)
    %dma_wait3A_137 = arith.constant 128 : i32
    %dma_wait3A_138 = arith.constant 0 : i32
    %dma_wait3A_139 = tpu.memref_slice %arg13[%dma_wait3A_137, %dma_wait3A_138] : memref<512x32xf32, #tpu.memory_space<vmem>> -> memref<128x32xf32, #tpu.memory_space<vmem>>
    %dma_wait3A_140 = arith.constant 128 : i32
    %dma_wait3A_141 = tpu.memref_slice %arg10[%dma_wait3A_140] : memref<512xi32, #tpu.memory_space<vmem>> -> memref<128xi32, #tpu.memory_space<vmem>>
    %dma_wait3A_142 = arith.constant 0 : i32
    %dma_wait3A_143 = arith.constant 0 : i32
    %dma_wait3A_144 = tpu.memref_slice %arg6[%dma_wait3A_142, %dma_wait3A_143] : memref<1000000x32xf32, #tpu.memory_space<hbm>> -> memref<1000000x32xf32, #tpu.memory_space<hbm>>
    tpu.wait_indirect_dma semaphore(%arg15 : memref<!tpu.dma_semaphore, #tpu.memory_space<semaphore_mem>>) src(%dma_wait3A_144 : memref<1000000x32xf32, #tpu.memory_space<hbm>>) dst(%dma_wait3A_139 : memref<128x32xf32, #tpu.memory_space<vmem>>)
    %dma_wait3A_145 = arith.constant 256 : i32
    %dma_wait3A_146 = arith.constant 0 : i32
    %dma_wait3A_147 = tpu.memref_slice %arg11[%dma_wait3A_145, %dma_wait3A_146] : memref<512x32xf32, #tpu.memory_space<vmem>> -> memref<128x32xf32, #tpu.memory_space<vmem>>
    %dma_wait3A_148 = arith.constant 256 : i32
    %dma_wait3A_149 = tpu.memref_slice %arg8[%dma_wait3A_148] : memref<512xi32, #tpu.memory_space<vmem>> -> memref<128xi32, #tpu.memory_space<vmem>>
    %dma_wait3A_150 = arith.constant 0 : i32
    %dma_wait3A_151 = arith.constant 0 : i32
    %dma_wait3A_152 = tpu.memref_slice %arg5[%dma_wait3A_150, %dma_wait3A_151] : memref<1000000x32xf32, #tpu.memory_space<hbm>> -> memref<1000000x32xf32, #tpu.memory_space<hbm>>
    tpu.wait_indirect_dma semaphore(%arg15 : memref<!tpu.dma_semaphore, #tpu.memory_space<semaphore_mem>>) src(%dma_wait3A_152 : memref<1000000x32xf32, #tpu.memory_space<hbm>>) dst(%dma_wait3A_147 : memref<128x32xf32, #tpu.memory_space<vmem>>)
    %dma_wait3A_153 = arith.constant 256 : i32
    %dma_wait3A_154 = arith.constant 0 : i32
    %dma_wait3A_155 = tpu.memref_slice %arg12[%dma_wait3A_153, %dma_wait3A_154] : memref<512x32xf32, #tpu.memory_space<vmem>> -> memref<128x32xf32, #tpu.memory_space<vmem>>
    %dma_wait3A_156 = arith.constant 256 : i32
    %dma_wait3A_157 = tpu.memref_slice %arg9[%dma_wait3A_156] : memref<512xi32, #tpu.memory_space<vmem>> -> memref<128xi32, #tpu.memory_space<vmem>>
    %dma_wait3A_158 = arith.constant 0 : i32
    %dma_wait3A_159 = arith.constant 0 : i32
    %dma_wait3A_160 = tpu.memref_slice %arg6[%dma_wait3A_158, %dma_wait3A_159] : memref<1000000x32xf32, #tpu.memory_space<hbm>> -> memref<1000000x32xf32, #tpu.memory_space<hbm>>
    tpu.wait_indirect_dma semaphore(%arg15 : memref<!tpu.dma_semaphore, #tpu.memory_space<semaphore_mem>>) src(%dma_wait3A_160 : memref<1000000x32xf32, #tpu.memory_space<hbm>>) dst(%dma_wait3A_155 : memref<128x32xf32, #tpu.memory_space<vmem>>)
    %dma_wait3A_161 = arith.constant 256 : i32
    %dma_wait3A_162 = arith.constant 0 : i32
    %dma_wait3A_163 = tpu.memref_slice %arg13[%dma_wait3A_161, %dma_wait3A_162] : memref<512x32xf32, #tpu.memory_space<vmem>> -> memref<128x32xf32, #tpu.memory_space<vmem>>
    %dma_wait3A_164 = arith.constant 256 : i32
    %dma_wait3A_165 = tpu.memref_slice %arg10[%dma_wait3A_164] : memref<512xi32, #tpu.memory_space<vmem>> -> memref<128xi32, #tpu.memory_space<vmem>>
    %dma_wait3A_166 = arith.constant 0 : i32
    %dma_wait3A_167 = arith.constant 0 : i32
    %dma_wait3A_168 = tpu.memref_slice %arg6[%dma_wait3A_166, %dma_wait3A_167] : memref<1000000x32xf32, #tpu.memory_space<hbm>> -> memref<1000000x32xf32, #tpu.memory_space<hbm>>
    tpu.wait_indirect_dma semaphore(%arg15 : memref<!tpu.dma_semaphore, #tpu.memory_space<semaphore_mem>>) src(%dma_wait3A_168 : memref<1000000x32xf32, #tpu.memory_space<hbm>>) dst(%dma_wait3A_163 : memref<128x32xf32, #tpu.memory_space<vmem>>)
    %dma_wait3A_169 = arith.constant 384 : i32
    %dma_wait3A_170 = arith.constant 0 : i32
    %dma_wait3A_171 = tpu.memref_slice %arg11[%dma_wait3A_169, %dma_wait3A_170] : memref<512x32xf32, #tpu.memory_space<vmem>> -> memref<128x32xf32, #tpu.memory_space<vmem>>
    %dma_wait3A_172 = arith.constant 384 : i32
    %dma_wait3A_173 = tpu.memref_slice %arg8[%dma_wait3A_172] : memref<512xi32, #tpu.memory_space<vmem>> -> memref<128xi32, #tpu.memory_space<vmem>>
    %dma_wait3A_174 = arith.constant 0 : i32
    %dma_wait3A_175 = arith.constant 0 : i32
    %dma_wait3A_176 = tpu.memref_slice %arg5[%dma_wait3A_174, %dma_wait3A_175] : memref<1000000x32xf32, #tpu.memory_space<hbm>> -> memref<1000000x32xf32, #tpu.memory_space<hbm>>
    tpu.wait_indirect_dma semaphore(%arg15 : memref<!tpu.dma_semaphore, #tpu.memory_space<semaphore_mem>>) src(%dma_wait3A_176 : memref<1000000x32xf32, #tpu.memory_space<hbm>>) dst(%dma_wait3A_171 : memref<128x32xf32, #tpu.memory_space<vmem>>)
    %dma_wait3A_177 = arith.constant 384 : i32
    %dma_wait3A_178 = arith.constant 0 : i32
    %dma_wait3A_179 = tpu.memref_slice %arg12[%dma_wait3A_177, %dma_wait3A_178] : memref<512x32xf32, #tpu.memory_space<vmem>> -> memref<128x32xf32, #tpu.memory_space<vmem>>
    %dma_wait3A_180 = arith.constant 384 : i32
    %dma_wait3A_181 = tpu.memref_slice %arg9[%dma_wait3A_180] : memref<512xi32, #tpu.memory_space<vmem>> -> memref<128xi32, #tpu.memory_space<vmem>>
    %dma_wait3A_182 = arith.constant 0 : i32
    %dma_wait3A_183 = arith.constant 0 : i32
    %dma_wait3A_184 = tpu.memref_slice %arg6[%dma_wait3A_182, %dma_wait3A_183] : memref<1000000x32xf32, #tpu.memory_space<hbm>> -> memref<1000000x32xf32, #tpu.memory_space<hbm>>
    tpu.wait_indirect_dma semaphore(%arg15 : memref<!tpu.dma_semaphore, #tpu.memory_space<semaphore_mem>>) src(%dma_wait3A_184 : memref<1000000x32xf32, #tpu.memory_space<hbm>>) dst(%dma_wait3A_179 : memref<128x32xf32, #tpu.memory_space<vmem>>)
    %dma_wait3A_185 = arith.constant 384 : i32
    %dma_wait3A_186 = arith.constant 0 : i32
    %dma_wait3A_187 = tpu.memref_slice %arg13[%dma_wait3A_185, %dma_wait3A_186] : memref<512x32xf32, #tpu.memory_space<vmem>> -> memref<128x32xf32, #tpu.memory_space<vmem>>
    %dma_wait3A_188 = arith.constant 384 : i32
    %dma_wait3A_189 = tpu.memref_slice %arg10[%dma_wait3A_188] : memref<512xi32, #tpu.memory_space<vmem>> -> memref<128xi32, #tpu.memory_space<vmem>>
    %dma_wait3A_190 = arith.constant 0 : i32
    %dma_wait3A_191 = arith.constant 0 : i32
    %dma_wait3A_192 = tpu.memref_slice %arg6[%dma_wait3A_190, %dma_wait3A_191] : memref<1000000x32xf32, #tpu.memory_space<hbm>> -> memref<1000000x32xf32, #tpu.memory_space<hbm>>
    tpu.wait_indirect_dma semaphore(%arg15 : memref<!tpu.dma_semaphore, #tpu.memory_space<semaphore_mem>>) src(%dma_wait3A_192 : memref<1000000x32xf32, #tpu.memory_space<hbm>>) dst(%dma_wait3A_187 : memref<128x32xf32, #tpu.memory_space<vmem>>)
    %iota3A = tpu.iota {dimensions = array<i32: 0>} : vector<16xi32>
    %broadcast_in_dim3A = arith.constant 0.000000e+00 : f32
    %broadcast_in_dim3A_193 = vector.broadcast %broadcast_in_dim3A : f32 to vector<16xf32>
    %scan3A = arith.constant 0 : i32
    %scan3A_194 = arith.constant 32 : i32
    %scan3A_195 = arith.addi %scan3A, %scan3A_194 : i32
    %scan3A_196 = arith.constant 1 : i32
    %scan3A_197 = scf.for %scan3A_200 = %scan3A to %scan3A_195 step %scan3A_196 iter_args(%scan3A_201 = %broadcast_in_dim3A_193) -> (vector<16xf32>)  : i32 {
      %broadcast_in_dim3A_202 = arith.constant 0.000000e+00 : f32
      %broadcast_in_dim3A_203 = vector.broadcast %broadcast_in_dim3A_202 : f32 to vector<16xf32>
      %broadcast_in_dim3A_204 = arith.constant 0.000000e+00 : f32
      %broadcast_in_dim3A_205 = vector.broadcast %broadcast_in_dim3A_204 : f32 to vector<16xf32>
      %mul3A_206 = arith.constant 16 : i32
      %mul3A_207 = arith.muli %scan3A_200, %mul3A_206 : i32
      %add3A_208 = arith.constant 0 : i32
      %add3A_209 = arith.addi %mul3A_207, %add3A_208 : i32
      %get3A = arith.index_cast %add3A_209 : i32 to index
      %get3A_210 = arith.constant 0 : index
      %get3A_211 = tpu.vector_load %arg11[%get3A, %get3A_210] {strides = array<i32>} : memref<512x32xf32, #tpu.memory_space<vmem>>, vector<16xf32>,
      %get3A_212 = arith.index_cast %add3A_209 : i32 to index
      %get3A_213 = arith.constant 16 : index
      %get3A_214 = tpu.vector_load %arg11[%get3A_212, %get3A_213] {strides = array<i32>} : memref<512x32xf32, #tpu.memory_space<vmem>>, vector<16xf32>,
      %get3A_215 = arith.index_cast %add3A_209 : i32 to index
      %get3A_216 = arith.constant 0 : index
      %get3A_217 = tpu.vector_load %arg12[%get3A_215, %get3A_216] {strides = array<i32>} : memref<512x32xf32, #tpu.memory_space<vmem>>, vector<16xf32>,
      %get3A_218 = arith.index_cast %add3A_209 : i32 to index
      %get3A_219 = arith.constant 16 : index
      %get3A_220 = tpu.vector_load %arg12[%get3A_218, %get3A_219] {strides = array<i32>} : memref<512x32xf32, #tpu.memory_space<vmem>>, vector<16xf32>,
      %get3A_221 = arith.index_cast %add3A_209 : i32 to index
      %get3A_222 = arith.constant 0 : index
      %get3A_223 = tpu.vector_load %arg13[%get3A_221, %get3A_222] {strides = array<i32>} : memref<512x32xf32, #tpu.memory_space<vmem>>, vector<16xf32>,
      %get3A_224 = arith.index_cast %add3A_209 : i32 to index
      %get3A_225 = arith.constant 16 : index
      %get3A_226 = tpu.vector_load %arg13[%get3A_224, %get3A_225] {strides = array<i32>} : memref<512x32xf32, #tpu.memory_space<vmem>>, vector<16xf32>,
      %mul3A_227 = arith.mulf %get3A_211, %get3A_217 : vector<16xf32>
      %mul3A_228 = arith.mulf %get3A_214, %get3A_220 : vector<16xf32>
      %add3A_229 = arith.addf %mul3A_227, %mul3A_228 : vector<16xf32>
      %reduce_sum3A = arith.constant true
      %reduce_sum3A_230 = vector.broadcast %reduce_sum3A : i1 to vector<16xi1>
      %reduce_sum3A_231 = tpu.scan <sum>, %add3A_229 masked %reduce_sum3A_230 : vector<16xf32>, vector<16xi1> -> vector<16xf32>
      %reduce_sum3A_232 = vector.extract %reduce_sum3A_231[15] : f32 from vector<16xf32>
      %mul3A_233 = arith.mulf %get3A_211, %get3A_223 : vector<16xf32>
      %mul3A_234 = arith.mulf %get3A_214, %get3A_226 : vector<16xf32>
      %add3A_235 = arith.addf %mul3A_233, %mul3A_234 : vector<16xf32>
      %reduce_sum3A_236 = arith.constant true
      %reduce_sum3A_237 = vector.broadcast %reduce_sum3A_236 : i1 to vector<16xi1>
      %reduce_sum3A_238 = tpu.scan <sum>, %add3A_235 masked %reduce_sum3A_237 : vector<16xf32>, vector<16xi1> -> vector<16xf32>
      %reduce_sum3A_239 = vector.extract %reduce_sum3A_238[15] : f32 from vector<16xf32>
      %eq3A = arith.constant 0 : i32
      %eq3A_240 = vector.broadcast %eq3A : i32 to vector<16xi32>
      %eq3A_241 = arith.cmpi eq, %iota3A, %eq3A_240 : vector<16xi32>
      %broadcast_in_dim3A_242 = vector.broadcast %reduce_sum3A_232 : f32 to vector<16xf32>
      %select_n3A = arith.select %eq3A_241, %broadcast_in_dim3A_242, %broadcast_in_dim3A_203 : vector<16xi1>, vector<16xf32>
      %eq3A_243 = arith.constant 0 : i32
      %eq3A_244 = vector.broadcast %eq3A_243 : i32 to vector<16xi32>
      %eq3A_245 = arith.cmpi eq, %iota3A, %eq3A_244 : vector<16xi32>
      %broadcast_in_dim3A_246 = vector.broadcast %reduce_sum3A_239 : f32 to vector<16xf32>
      %select_n3A_247 = arith.select %eq3A_245, %broadcast_in_dim3A_246, %broadcast_in_dim3A_205 : vector<16xi1>, vector<16xf32>
      %mul3A_248 = arith.constant 16 : i32
      %mul3A_249 = arith.muli %scan3A_200, %mul3A_248 : i32
      %add3A_250 = arith.constant 1 : i32
      %add3A_251 = arith.addi %mul3A_249, %add3A_250 : i32
      %get3A_252 = arith.index_cast %add3A_251 : i32 to index
      %get3A_253 = arith.constant 0 : index
      %get3A_254 = tpu.vector_load %arg11[%get3A_252, %get3A_253] {strides = array<i32>} : memref<512x32xf32, #tpu.memory_space<vmem>>, vector<16xf32>,
      %get3A_255 = arith.index_cast %add3A_251 : i32 to index
      %get3A_256 = arith.constant 16 : index
      %get3A_257 = tpu.vector_load %arg11[%get3A_255, %get3A_256] {strides = array<i32>} : memref<512x32xf32, #tpu.memory_space<vmem>>, vector<16xf32>,
      %get3A_258 = arith.index_cast %add3A_251 : i32 to index
      %get3A_259 = arith.constant 0 : index
      %get3A_260 = tpu.vector_load %arg12[%get3A_258, %get3A_259] {strides = array<i32>} : memref<512x32xf32, #tpu.memory_space<vmem>>, vector<16xf32>,
      %get3A_261 = arith.index_cast %add3A_251 : i32 to index
      %get3A_262 = arith.constant 16 : index
      %get3A_263 = tpu.vector_load %arg12[%get3A_261, %get3A_262] {strides = array<i32>} : memref<512x32xf32, #tpu.memory_space<vmem>>, vector<16xf32>,
      %get3A_264 = arith.index_cast %add3A_251 : i32 to index
      %get3A_265 = arith.constant 0 : index
      %get3A_266 = tpu.vector_load %arg13[%get3A_264, %get3A_265] {strides = array<i32>} : memref<512x32xf32, #tpu.memory_space<vmem>>, vector<16xf32>,
      %get3A_267 = arith.index_cast %add3A_251 : i32 to index
      %get3A_268 = arith.constant 16 : index
      %get3A_269 = tpu.vector_load %arg13[%get3A_267, %get3A_268] {strides = array<i32>} : memref<512x32xf32, #tpu.memory_space<vmem>>, vector<16xf32>,
      %mul3A_270 = arith.mulf %get3A_254, %get3A_260 : vector<16xf32>
      %mul3A_271 = arith.mulf %get3A_257, %get3A_263 : vector<16xf32>
      %add3A_272 = arith.addf %mul3A_270, %mul3A_271 : vector<16xf32>
      %reduce_sum3A_273 = arith.constant true
      %reduce_sum3A_274 = vector.broadcast %reduce_sum3A_273 : i1 to vector<16xi1>
      %reduce_sum3A_275 = tpu.scan <sum>, %add3A_272 masked %reduce_sum3A_274 : vector<16xf32>, vector<16xi1> -> vector<16xf32>
      %reduce_sum3A_276 = vector.extract %reduce_sum3A_275[15] : f32 from vector<16xf32>
      %mul3A_277 = arith.mulf %get3A_254, %get3A_266 : vector<16xf32>
      %mul3A_278 = arith.mulf %get3A_257, %get3A_269 : vector<16xf32>
      %add3A_279 = arith.addf %mul3A_277, %mul3A_278 : vector<16xf32>
      %reduce_sum3A_280 = arith.constant true
      %reduce_sum3A_281 = vector.broadcast %reduce_sum3A_280 : i1 to vector<16xi1>
      %reduce_sum3A_282 = tpu.scan <sum>, %add3A_279 masked %reduce_sum3A_281 : vector<16xf32>, vector<16xi1> -> vector<16xf32>
      %reduce_sum3A_283 = vector.extract %reduce_sum3A_282[15] : f32 from vector<16xf32>
      %eq3A_284 = arith.constant 1 : i32
      %eq3A_285 = vector.broadcast %eq3A_284 : i32 to vector<16xi32>
      %eq3A_286 = arith.cmpi eq, %iota3A, %eq3A_285 : vector<16xi32>
      %broadcast_in_dim3A_287 = vector.broadcast %reduce_sum3A_276 : f32 to vector<16xf32>
      %select_n3A_288 = arith.select %eq3A_286, %broadcast_in_dim3A_287, %select_n3A : vector<16xi1>, vector<16xf32>
      %eq3A_289 = arith.constant 1 : i32
      %eq3A_290 = vector.broadcast %eq3A_289 : i32 to vector<16xi32>
      %eq3A_291 = arith.cmpi eq, %iota3A, %eq3A_290 : vector<16xi32>
      %broadcast_in_dim3A_292 = vector.broadcast %reduce_sum3A_283 : f32 to vector<16xf32>
      %select_n3A_293 = arith.select %eq3A_291, %broadcast_in_dim3A_292, %select_n3A_247 : vector<16xi1>, vector<16xf32>
      %mul3A_294 = arith.constant 16 : i32
      %mul3A_295 = arith.muli %scan3A_200, %mul3A_294 : i32
      %add3A_296 = arith.constant 2 : i32
      %add3A_297 = arith.addi %mul3A_295, %add3A_296 : i32
      %get3A_298 = arith.index_cast %add3A_297 : i32 to index
      %get3A_299 = arith.constant 0 : index
      %get3A_300 = tpu.vector_load %arg11[%get3A_298, %get3A_299] {strides = array<i32>} : memref<512x32xf32, #tpu.memory_space<vmem>>, vector<16xf32>,
      %get3A_301 = arith.index_cast %add3A_297 : i32 to index
      %get3A_302 = arith.constant 16 : index
      %get3A_303 = tpu.vector_load %arg11[%get3A_301, %get3A_302] {strides = array<i32>} : memref<512x32xf32, #tpu.memory_space<vmem>>, vector<16xf32>,
      %get3A_304 = arith.index_cast %add3A_297 : i32 to index
      %get3A_305 = arith.constant 0 : index
      %get3A_306 = tpu.vector_load %arg12[%get3A_304, %get3A_305] {strides = array<i32>} : memref<512x32xf32, #tpu.memory_space<vmem>>, vector<16xf32>,
      %get3A_307 = arith.index_cast %add3A_297 : i32 to index
      %get3A_308 = arith.constant 16 : index
      %get3A_309 = tpu.vector_load %arg12[%get3A_307, %get3A_308] {strides = array<i32>} : memref<512x32xf32, #tpu.memory_space<vmem>>, vector<16xf32>,
      %get3A_310 = arith.index_cast %add3A_297 : i32 to index
      %get3A_311 = arith.constant 0 : index
      %get3A_312 = tpu.vector_load %arg13[%get3A_310, %get3A_311] {strides = array<i32>} : memref<512x32xf32, #tpu.memory_space<vmem>>, vector<16xf32>,
      %get3A_313 = arith.index_cast %add3A_297 : i32 to index
      %get3A_314 = arith.constant 16 : index
      %get3A_315 = tpu.vector_load %arg13[%get3A_313, %get3A_314] {strides = array<i32>} : memref<512x32xf32, #tpu.memory_space<vmem>>, vector<16xf32>,
      %mul3A_316 = arith.mulf %get3A_300, %get3A_306 : vector<16xf32>
      %mul3A_317 = arith.mulf %get3A_303, %get3A_309 : vector<16xf32>
      %add3A_318 = arith.addf %mul3A_316, %mul3A_317 : vector<16xf32>
      %reduce_sum3A_319 = arith.constant true
      %reduce_sum3A_320 = vector.broadcast %reduce_sum3A_319 : i1 to vector<16xi1>
      %reduce_sum3A_321 = tpu.scan <sum>, %add3A_318 masked %reduce_sum3A_320 : vector<16xf32>, vector<16xi1> -> vector<16xf32>
      %reduce_sum3A_322 = vector.extract %reduce_sum3A_321[15] : f32 from vector<16xf32>
      %mul3A_323 = arith.mulf %get3A_300, %get3A_312 : vector<16xf32>
      %mul3A_324 = arith.mulf %get3A_303, %get3A_315 : vector<16xf32>
      %add3A_325 = arith.addf %mul3A_323, %mul3A_324 : vector<16xf32>
      %reduce_sum3A_326 = arith.constant true
      %reduce_sum3A_327 = vector.broadcast %reduce_sum3A_326 : i1 to vector<16xi1>
      %reduce_sum3A_328 = tpu.scan <sum>, %add3A_325 masked %reduce_sum3A_327 : vector<16xf32>, vector<16xi1> -> vector<16xf32>
      %reduce_sum3A_329 = vector.extract %reduce_sum3A_328[15] : f32 from vector<16xf32>
      %eq3A_330 = arith.constant 2 : i32
      %eq3A_331 = vector.broadcast %eq3A_330 : i32 to vector<16xi32>
      %eq3A_332 = arith.cmpi eq, %iota3A, %eq3A_331 : vector<16xi32>
      %broadcast_in_dim3A_333 = vector.broadcast %reduce_sum3A_322 : f32 to vector<16xf32>
      %select_n3A_334 = arith.select %eq3A_332, %broadcast_in_dim3A_333, %select_n3A_288 : vector<16xi1>, vector<16xf32>
      %eq3A_335 = arith.constant 2 : i32
      %eq3A_336 = vector.broadcast %eq3A_335 : i32 to vector<16xi32>
      %eq3A_337 = arith.cmpi eq, %iota3A, %eq3A_336 : vector<16xi32>
      %broadcast_in_dim3A_338 = vector.broadcast %reduce_sum3A_329 : f32 to vector<16xf32>
      %select_n3A_339 = arith.select %eq3A_337, %broadcast_in_dim3A_338, %select_n3A_293 : vector<16xi1>, vector<16xf32>
      %mul3A_340 = arith.constant 16 : i32
      %mul3A_341 = arith.muli %scan3A_200, %mul3A_340 : i32
      %add3A_342 = arith.constant 3 : i32
      %add3A_343 = arith.addi %mul3A_341, %add3A_342 : i32
      %get3A_344 = arith.index_cast %add3A_343 : i32 to index
      %get3A_345 = arith.constant 0 : index
      %get3A_346 = tpu.vector_load %arg11[%get3A_344, %get3A_345] {strides = array<i32>} : memref<512x32xf32, #tpu.memory_space<vmem>>, vector<16xf32>,
      %get3A_347 = arith.index_cast %add3A_343 : i32 to index
      %get3A_348 = arith.constant 16 : index
      %get3A_349 = tpu.vector_load %arg11[%get3A_347, %get3A_348] {strides = array<i32>} : memref<512x32xf32, #tpu.memory_space<vmem>>, vector<16xf32>,
      %get3A_350 = arith.index_cast %add3A_343 : i32 to index
      %get3A_351 = arith.constant 0 : index
      %get3A_352 = tpu.vector_load %arg12[%get3A_350, %get3A_351] {strides = array<i32>} : memref<512x32xf32, #tpu.memory_space<vmem>>, vector<16xf32>,
      %get3A_353 = arith.index_cast %add3A_343 : i32 to index
      %get3A_354 = arith.constant 16 : index
      %get3A_355 = tpu.vector_load %arg12[%get3A_353, %get3A_354] {strides = array<i32>} : memref<512x32xf32, #tpu.memory_space<vmem>>, vector<16xf32>,
      %get3A_356 = arith.index_cast %add3A_343 : i32 to index
      %get3A_357 = arith.constant 0 : index
      %get3A_358 = tpu.vector_load %arg13[%get3A_356, %get3A_357] {strides = array<i32>} : memref<512x32xf32, #tpu.memory_space<vmem>>, vector<16xf32>,
      %get3A_359 = arith.index_cast %add3A_343 : i32 to index
      %get3A_360 = arith.constant 16 : index
      %get3A_361 = tpu.vector_load %arg13[%get3A_359, %get3A_360] {strides = array<i32>} : memref<512x32xf32, #tpu.memory_space<vmem>>, vector<16xf32>,
      %mul3A_362 = arith.mulf %get3A_346, %get3A_352 : vector<16xf32>
      %mul3A_363 = arith.mulf %get3A_349, %get3A_355 : vector<16xf32>
      %add3A_364 = arith.addf %mul3A_362, %mul3A_363 : vector<16xf32>
      %reduce_sum3A_365 = arith.constant true
      %reduce_sum3A_366 = vector.broadcast %reduce_sum3A_365 : i1 to vector<16xi1>
      %reduce_sum3A_367 = tpu.scan <sum>, %add3A_364 masked %reduce_sum3A_366 : vector<16xf32>, vector<16xi1> -> vector<16xf32>
      %reduce_sum3A_368 = vector.extract %reduce_sum3A_367[15] : f32 from vector<16xf32>
      %mul3A_369 = arith.mulf %get3A_346, %get3A_358 : vector<16xf32>
      %mul3A_370 = arith.mulf %get3A_349, %get3A_361 : vector<16xf32>
      %add3A_371 = arith.addf %mul3A_369, %mul3A_370 : vector<16xf32>
      %reduce_sum3A_372 = arith.constant true
      %reduce_sum3A_373 = vector.broadcast %reduce_sum3A_372 : i1 to vector<16xi1>
      %reduce_sum3A_374 = tpu.scan <sum>, %add3A_371 masked %reduce_sum3A_373 : vector<16xf32>, vector<16xi1> -> vector<16xf32>
      %reduce_sum3A_375 = vector.extract %reduce_sum3A_374[15] : f32 from vector<16xf32>
      %eq3A_376 = arith.constant 3 : i32
      %eq3A_377 = vector.broadcast %eq3A_376 : i32 to vector<16xi32>
      %eq3A_378 = arith.cmpi eq, %iota3A, %eq3A_377 : vector<16xi32>
      %broadcast_in_dim3A_379 = vector.broadcast %reduce_sum3A_368 : f32 to vector<16xf32>
      %select_n3A_380 = arith.select %eq3A_378, %broadcast_in_dim3A_379, %select_n3A_334 : vector<16xi1>, vector<16xf32>
      %eq3A_381 = arith.constant 3 : i32
      %eq3A_382 = vector.broadcast %eq3A_381 : i32 to vector<16xi32>
      %eq3A_383 = arith.cmpi eq, %iota3A, %eq3A_382 : vector<16xi32>
      %broadcast_in_dim3A_384 = vector.broadcast %reduce_sum3A_375 : f32 to vector<16xf32>
      %select_n3A_385 = arith.select %eq3A_383, %broadcast_in_dim3A_384, %select_n3A_339 : vector<16xi1>, vector<16xf32>
      %mul3A_386 = arith.constant 16 : i32
      %mul3A_387 = arith.muli %scan3A_200, %mul3A_386 : i32
      %add3A_388 = arith.constant 4 : i32
      %add3A_389 = arith.addi %mul3A_387, %add3A_388 : i32
      %get3A_390 = arith.index_cast %add3A_389 : i32 to index
      %get3A_391 = arith.constant 0 : index
      %get3A_392 = tpu.vector_load %arg11[%get3A_390, %get3A_391] {strides = array<i32>} : memref<512x32xf32, #tpu.memory_space<vmem>>, vector<16xf32>,
      %get3A_393 = arith.index_cast %add3A_389 : i32 to index
      %get3A_394 = arith.constant 16 : index
      %get3A_395 = tpu.vector_load %arg11[%get3A_393, %get3A_394] {strides = array<i32>} : memref<512x32xf32, #tpu.memory_space<vmem>>, vector<16xf32>,
      %get3A_396 = arith.index_cast %add3A_389 : i32 to index
      %get3A_397 = arith.constant 0 : index
      %get3A_398 = tpu.vector_load %arg12[%get3A_396, %get3A_397] {strides = array<i32>} : memref<512x32xf32, #tpu.memory_space<vmem>>, vector<16xf32>,
      %get3A_399 = arith.index_cast %add3A_389 : i32 to index
      %get3A_400 = arith.constant 16 : index
      %get3A_401 = tpu.vector_load %arg12[%get3A_399, %get3A_400] {strides = array<i32>} : memref<512x32xf32, #tpu.memory_space<vmem>>, vector<16xf32>,
      %get3A_402 = arith.index_cast %add3A_389 : i32 to index
      %get3A_403 = arith.constant 0 : index
      %get3A_404 = tpu.vector_load %arg13[%get3A_402, %get3A_403] {strides = array<i32>} : memref<512x32xf32, #tpu.memory_space<vmem>>, vector<16xf32>,
      %get3A_405 = arith.index_cast %add3A_389 : i32 to index
      %get3A_406 = arith.constant 16 : index
      %get3A_407 = tpu.vector_load %arg13[%get3A_405, %get3A_406] {strides = array<i32>} : memref<512x32xf32, #tpu.memory_space<vmem>>, vector<16xf32>,
      %mul3A_408 = arith.mulf %get3A_392, %get3A_398 : vector<16xf32>
      %mul3A_409 = arith.mulf %get3A_395, %get3A_401 : vector<16xf32>
      %add3A_410 = arith.addf %mul3A_408, %mul3A_409 : vector<16xf32>
      %reduce_sum3A_411 = arith.constant true
      %reduce_sum3A_412 = vector.broadcast %reduce_sum3A_411 : i1 to vector<16xi1>
      %reduce_sum3A_413 = tpu.scan <sum>, %add3A_410 masked %reduce_sum3A_412 : vector<16xf32>, vector<16xi1> -> vector<16xf32>
      %reduce_sum3A_414 = vector.extract %reduce_sum3A_413[15] : f32 from vector<16xf32>
      %mul3A_415 = arith.mulf %get3A_392, %get3A_404 : vector<16xf32>
      %mul3A_416 = arith.mulf %get3A_395, %get3A_407 : vector<16xf32>
      %add3A_417 = arith.addf %mul3A_415, %mul3A_416 : vector<16xf32>
      %reduce_sum3A_418 = arith.constant true
      %reduce_sum3A_419 = vector.broadcast %reduce_sum3A_418 : i1 to vector<16xi1>
      %reduce_sum3A_420 = tpu.scan <sum>, %add3A_417 masked %reduce_sum3A_419 : vector<16xf32>, vector<16xi1> -> vector<16xf32>
      %reduce_sum3A_421 = vector.extract %reduce_sum3A_420[15] : f32 from vector<16xf32>
      %eq3A_422 = arith.constant 4 : i32
      %eq3A_423 = vector.broadcast %eq3A_422 : i32 to vector<16xi32>
      %eq3A_424 = arith.cmpi eq, %iota3A, %eq3A_423 : vector<16xi32>
      %broadcast_in_dim3A_425 = vector.broadcast %reduce_sum3A_414 : f32 to vector<16xf32>
      %select_n3A_426 = arith.select %eq3A_424, %broadcast_in_dim3A_425, %select_n3A_380 : vector<16xi1>, vector<16xf32>
      %eq3A_427 = arith.constant 4 : i32
      %eq3A_428 = vector.broadcast %eq3A_427 : i32 to vector<16xi32>
      %eq3A_429 = arith.cmpi eq, %iota3A, %eq3A_428 : vector<16xi32>
      %broadcast_in_dim3A_430 = vector.broadcast %reduce_sum3A_421 : f32 to vector<16xf32>
      %select_n3A_431 = arith.select %eq3A_429, %broadcast_in_dim3A_430, %select_n3A_385 : vector<16xi1>, vector<16xf32>
      %mul3A_432 = arith.constant 16 : i32
      %mul3A_433 = arith.muli %scan3A_200, %mul3A_432 : i32
      %add3A_434 = arith.constant 5 : i32
      %add3A_435 = arith.addi %mul3A_433, %add3A_434 : i32
      %get3A_436 = arith.index_cast %add3A_435 : i32 to index
      %get3A_437 = arith.constant 0 : index
      %get3A_438 = tpu.vector_load %arg11[%get3A_436, %get3A_437] {strides = array<i32>} : memref<512x32xf32, #tpu.memory_space<vmem>>, vector<16xf32>,
      %get3A_439 = arith.index_cast %add3A_435 : i32 to index
      %get3A_440 = arith.constant 16 : index
      %get3A_441 = tpu.vector_load %arg11[%get3A_439, %get3A_440] {strides = array<i32>} : memref<512x32xf32, #tpu.memory_space<vmem>>, vector<16xf32>,
      %get3A_442 = arith.index_cast %add3A_435 : i32 to index
      %get3A_443 = arith.constant 0 : index
      %get3A_444 = tpu.vector_load %arg12[%get3A_442, %get3A_443] {strides = array<i32>} : memref<512x32xf32, #tpu.memory_space<vmem>>, vector<16xf32>,
      %get3A_445 = arith.index_cast %add3A_435 : i32 to index
      %get3A_446 = arith.constant 16 : index
      %get3A_447 = tpu.vector_load %arg12[%get3A_445, %get3A_446] {strides = array<i32>} : memref<512x32xf32, #tpu.memory_space<vmem>>, vector<16xf32>,
      %get3A_448 = arith.index_cast %add3A_435 : i32 to index
      %get3A_449 = arith.constant 0 : index
      %get3A_450 = tpu.vector_load %arg13[%get3A_448, %get3A_449] {strides = array<i32>} : memref<512x32xf32, #tpu.memory_space<vmem>>, vector<16xf32>,
      %get3A_451 = arith.index_cast %add3A_435 : i32 to index
      %get3A_452 = arith.constant 16 : index
      %get3A_453 = tpu.vector_load %arg13[%get3A_451, %get3A_452] {strides = array<i32>} : memref<512x32xf32, #tpu.memory_space<vmem>>, vector<16xf32>,
      %mul3A_454 = arith.mulf %get3A_438, %get3A_444 : vector<16xf32>
      %mul3A_455 = arith.mulf %get3A_441, %get3A_447 : vector<16xf32>
      %add3A_456 = arith.addf %mul3A_454, %mul3A_455 : vector<16xf32>
      %reduce_sum3A_457 = arith.constant true
      %reduce_sum3A_458 = vector.broadcast %reduce_sum3A_457 : i1 to vector<16xi1>
      %reduce_sum3A_459 = tpu.scan <sum>, %add3A_456 masked %reduce_sum3A_458 : vector<16xf32>, vector<16xi1> -> vector<16xf32>
      %reduce_sum3A_460 = vector.extract %reduce_sum3A_459[15] : f32 from vector<16xf32>
      %mul3A_461 = arith.mulf %get3A_438, %get3A_450 : vector<16xf32>
      %mul3A_462 = arith.mulf %get3A_441, %get3A_453 : vector<16xf32>
      %add3A_463 = arith.addf %mul3A_461, %mul3A_462 : vector<16xf32>
      %reduce_sum3A_464 = arith.constant true
      %reduce_sum3A_465 = vector.broadcast %reduce_sum3A_464 : i1 to vector<16xi1>
      %reduce_sum3A_466 = tpu.scan <sum>, %add3A_463 masked %reduce_sum3A_465 : vector<16xf32>, vector<16xi1> -> vector<16xf32>
      %reduce_sum3A_467 = vector.extract %reduce_sum3A_466[15] : f32 from vector<16xf32>
      %eq3A_468 = arith.constant 5 : i32
      %eq3A_469 = vector.broadcast %eq3A_468 : i32 to vector<16xi32>
      %eq3A_470 = arith.cmpi eq, %iota3A, %eq3A_469 : vector<16xi32>
      %broadcast_in_dim3A_471 = vector.broadcast %reduce_sum3A_460 : f32 to vector<16xf32>
      %select_n3A_472 = arith.select %eq3A_470, %broadcast_in_dim3A_471, %select_n3A_426 : vector<16xi1>, vector<16xf32>
      %eq3A_473 = arith.constant 5 : i32
      %eq3A_474 = vector.broadcast %eq3A_473 : i32 to vector<16xi32>
      %eq3A_475 = arith.cmpi eq, %iota3A, %eq3A_474 : vector<16xi32>
      %broadcast_in_dim3A_476 = vector.broadcast %reduce_sum3A_467 : f32 to vector<16xf32>
      %select_n3A_477 = arith.select %eq3A_475, %broadcast_in_dim3A_476, %select_n3A_431 : vector<16xi1>, vector<16xf32>
      %mul3A_478 = arith.constant 16 : i32
      %mul3A_479 = arith.muli %scan3A_200, %mul3A_478 : i32
      %add3A_480 = arith.constant 6 : i32
      %add3A_481 = arith.addi %mul3A_479, %add3A_480 : i32
      %get3A_482 = arith.index_cast %add3A_481 : i32 to index
      %get3A_483 = arith.constant 0 : index
      %get3A_484 = tpu.vector_load %arg11[%get3A_482, %get3A_483] {strides = array<i32>} : memref<512x32xf32, #tpu.memory_space<vmem>>, vector<16xf32>,
      %get3A_485 = arith.index_cast %add3A_481 : i32 to index
      %get3A_486 = arith.constant 16 : index
      %get3A_487 = tpu.vector_load %arg11[%get3A_485, %get3A_486] {strides = array<i32>} : memref<512x32xf32, #tpu.memory_space<vmem>>, vector<16xf32>,
      %get3A_488 = arith.index_cast %add3A_481 : i32 to index
      %get3A_489 = arith.constant 0 : index
      %get3A_490 = tpu.vector_load %arg12[%get3A_488, %get3A_489] {strides = array<i32>} : memref<512x32xf32, #tpu.memory_space<vmem>>, vector<16xf32>,
      %get3A_491 = arith.index_cast %add3A_481 : i32 to index
      %get3A_492 = arith.constant 16 : index
      %get3A_493 = tpu.vector_load %arg12[%get3A_491, %get3A_492] {strides = array<i32>} : memref<512x32xf32, #tpu.memory_space<vmem>>, vector<16xf32>,
      %get3A_494 = arith.index_cast %add3A_481 : i32 to index
      %get3A_495 = arith.constant 0 : index
      %get3A_496 = tpu.vector_load %arg13[%get3A_494, %get3A_495] {strides = array<i32>} : memref<512x32xf32, #tpu.memory_space<vmem>>, vector<16xf32>,
      %get3A_497 = arith.index_cast %add3A_481 : i32 to index
      %get3A_498 = arith.constant 16 : index
      %get3A_499 = tpu.vector_load %arg13[%get3A_497, %get3A_498] {strides = array<i32>} : memref<512x32xf32, #tpu.memory_space<vmem>>, vector<16xf32>,
      %mul3A_500 = arith.mulf %get3A_484, %get3A_490 : vector<16xf32>
      %mul3A_501 = arith.mulf %get3A_487, %get3A_493 : vector<16xf32>
      %add3A_502 = arith.addf %mul3A_500, %mul3A_501 : vector<16xf32>
      %reduce_sum3A_503 = arith.constant true
      %reduce_sum3A_504 = vector.broadcast %reduce_sum3A_503 : i1 to vector<16xi1>
      %reduce_sum3A_505 = tpu.scan <sum>, %add3A_502 masked %reduce_sum3A_504 : vector<16xf32>, vector<16xi1> -> vector<16xf32>
      %reduce_sum3A_506 = vector.extract %reduce_sum3A_505[15] : f32 from vector<16xf32>
      %mul3A_507 = arith.mulf %get3A_484, %get3A_496 : vector<16xf32>
      %mul3A_508 = arith.mulf %get3A_487, %get3A_499 : vector<16xf32>
      %add3A_509 = arith.addf %mul3A_507, %mul3A_508 : vector<16xf32>
      %reduce_sum3A_510 = arith.constant true
      %reduce_sum3A_511 = vector.broadcast %reduce_sum3A_510 : i1 to vector<16xi1>
      %reduce_sum3A_512 = tpu.scan <sum>, %add3A_509 masked %reduce_sum3A_511 : vector<16xf32>, vector<16xi1> -> vector<16xf32>
      %reduce_sum3A_513 = vector.extract %reduce_sum3A_512[15] : f32 from vector<16xf32>
      %eq3A_514 = arith.constant 6 : i32
      %eq3A_515 = vector.broadcast %eq3A_514 : i32 to vector<16xi32>
      %eq3A_516 = arith.cmpi eq, %iota3A, %eq3A_515 : vector<16xi32>
      %broadcast_in_dim3A_517 = vector.broadcast %reduce_sum3A_506 : f32 to vector<16xf32>
      %select_n3A_518 = arith.select %eq3A_516, %broadcast_in_dim3A_517, %select_n3A_472 : vector<16xi1>, vector<16xf32>
      %eq3A_519 = arith.constant 6 : i32
      %eq3A_520 = vector.broadcast %eq3A_519 : i32 to vector<16xi32>
      %eq3A_521 = arith.cmpi eq, %iota3A, %eq3A_520 : vector<16xi32>
      %broadcast_in_dim3A_522 = vector.broadcast %reduce_sum3A_513 : f32 to vector<16xf32>
      %select_n3A_523 = arith.select %eq3A_521, %broadcast_in_dim3A_522, %select_n3A_477 : vector<16xi1>, vector<16xf32>
      %mul3A_524 = arith.constant 16 : i32
      %mul3A_525 = arith.muli %scan3A_200, %mul3A_524 : i32
      %add3A_526 = arith.constant 7 : i32
      %add3A_527 = arith.addi %mul3A_525, %add3A_526 : i32
      %get3A_528 = arith.index_cast %add3A_527 : i32 to index
      %get3A_529 = arith.constant 0 : index
      %get3A_530 = tpu.vector_load %arg11[%get3A_528, %get3A_529] {strides = array<i32>} : memref<512x32xf32, #tpu.memory_space<vmem>>, vector<16xf32>,
      %get3A_531 = arith.index_cast %add3A_527 : i32 to index
      %get3A_532 = arith.constant 16 : index
      %get3A_533 = tpu.vector_load %arg11[%get3A_531, %get3A_532] {strides = array<i32>} : memref<512x32xf32, #tpu.memory_space<vmem>>, vector<16xf32>,
      %get3A_534 = arith.index_cast %add3A_527 : i32 to index
      %get3A_535 = arith.constant 0 : index
      %get3A_536 = tpu.vector_load %arg12[%get3A_534, %get3A_535] {strides = array<i32>} : memref<512x32xf32, #tpu.memory_space<vmem>>, vector<16xf32>,
      %get3A_537 = arith.index_cast %add3A_527 : i32 to index
      %get3A_538 = arith.constant 16 : index
      %get3A_539 = tpu.vector_load %arg12[%get3A_537, %get3A_538] {strides = array<i32>} : memref<512x32xf32, #tpu.memory_space<vmem>>, vector<16xf32>,
      %get3A_540 = arith.index_cast %add3A_527 : i32 to index
      %get3A_541 = arith.constant 0 : index
      %get3A_542 = tpu.vector_load %arg13[%get3A_540, %get3A_541] {strides = array<i32>} : memref<512x32xf32, #tpu.memory_space<vmem>>, vector<16xf32>,
      %get3A_543 = arith.index_cast %add3A_527 : i32 to index
      %get3A_544 = arith.constant 16 : index
      %get3A_545 = tpu.vector_load %arg13[%get3A_543, %get3A_544] {strides = array<i32>} : memref<512x32xf32, #tpu.memory_space<vmem>>, vector<16xf32>,
      %mul3A_546 = arith.mulf %get3A_530, %get3A_536 : vector<16xf32>
      %mul3A_547 = arith.mulf %get3A_533, %get3A_539 : vector<16xf32>
      %add3A_548 = arith.addf %mul3A_546, %mul3A_547 : vector<16xf32>
      %reduce_sum3A_549 = arith.constant true
      %reduce_sum3A_550 = vector.broadcast %reduce_sum3A_549 : i1 to vector<16xi1>
      %reduce_sum3A_551 = tpu.scan <sum>, %add3A_548 masked %reduce_sum3A_550 : vector<16xf32>, vector<16xi1> -> vector<16xf32>
      %reduce_sum3A_552 = vector.extract %reduce_sum3A_551[15] : f32 from vector<16xf32>
      %mul3A_553 = arith.mulf %get3A_530, %get3A_542 : vector<16xf32>
      %mul3A_554 = arith.mulf %get3A_533, %get3A_545 : vector<16xf32>
      %add3A_555 = arith.addf %mul3A_553, %mul3A_554 : vector<16xf32>
      %reduce_sum3A_556 = arith.constant true
      %reduce_sum3A_557 = vector.broadcast %reduce_sum3A_556 : i1 to vector<16xi1>
      %reduce_sum3A_558 = tpu.scan <sum>, %add3A_555 masked %reduce_sum3A_557 : vector<16xf32>, vector<16xi1> -> vector<16xf32>
      %reduce_sum3A_559 = vector.extract %reduce_sum3A_558[15] : f32 from vector<16xf32>
      %eq3A_560 = arith.constant 7 : i32
      %eq3A_561 = vector.broadcast %eq3A_560 : i32 to vector<16xi32>
      %eq3A_562 = arith.cmpi eq, %iota3A, %eq3A_561 : vector<16xi32>
      %broadcast_in_dim3A_563 = vector.broadcast %reduce_sum3A_552 : f32 to vector<16xf32>
      %select_n3A_564 = arith.select %eq3A_562, %broadcast_in_dim3A_563, %select_n3A_518 : vector<16xi1>, vector<16xf32>
      %eq3A_565 = arith.constant 7 : i32
      %eq3A_566 = vector.broadcast %eq3A_565 : i32 to vector<16xi32>
      %eq3A_567 = arith.cmpi eq, %iota3A, %eq3A_566 : vector<16xi32>
      %broadcast_in_dim3A_568 = vector.broadcast %reduce_sum3A_559 : f32 to vector<16xf32>
      %select_n3A_569 = arith.select %eq3A_567, %broadcast_in_dim3A_568, %select_n3A_523 : vector<16xi1>, vector<16xf32>
      %mul3A_570 = arith.constant 16 : i32
      %mul3A_571 = arith.muli %scan3A_200, %mul3A_570 : i32
      %add3A_572 = arith.constant 8 : i32
      %add3A_573 = arith.addi %mul3A_571, %add3A_572 : i32
      %get3A_574 = arith.index_cast %add3A_573 : i32 to index
      %get3A_575 = arith.constant 0 : index
      %get3A_576 = tpu.vector_load %arg11[%get3A_574, %get3A_575] {strides = array<i32>} : memref<512x32xf32, #tpu.memory_space<vmem>>, vector<16xf32>,
      %get3A_577 = arith.index_cast %add3A_573 : i32 to index
      %get3A_578 = arith.constant 16 : index
      %get3A_579 = tpu.vector_load %arg11[%get3A_577, %get3A_578] {strides = array<i32>} : memref<512x32xf32, #tpu.memory_space<vmem>>, vector<16xf32>,
      %get3A_580 = arith.index_cast %add3A_573 : i32 to index
      %get3A_581 = arith.constant 0 : index
      %get3A_582 = tpu.vector_load %arg12[%get3A_580, %get3A_581] {strides = array<i32>} : memref<512x32xf32, #tpu.memory_space<vmem>>, vector<16xf32>,
      %get3A_583 = arith.index_cast %add3A_573 : i32 to index
      %get3A_584 = arith.constant 16 : index
      %get3A_585 = tpu.vector_load %arg12[%get3A_583, %get3A_584] {strides = array<i32>} : memref<512x32xf32, #tpu.memory_space<vmem>>, vector<16xf32>,
      %get3A_586 = arith.index_cast %add3A_573 : i32 to index
      %get3A_587 = arith.constant 0 : index
      %get3A_588 = tpu.vector_load %arg13[%get3A_586, %get3A_587] {strides = array<i32>} : memref<512x32xf32, #tpu.memory_space<vmem>>, vector<16xf32>,
      %get3A_589 = arith.index_cast %add3A_573 : i32 to index
      %get3A_590 = arith.constant 16 : index
      %get3A_591 = tpu.vector_load %arg13[%get3A_589, %get3A_590] {strides = array<i32>} : memref<512x32xf32, #tpu.memory_space<vmem>>, vector<16xf32>,
      %mul3A_592 = arith.mulf %get3A_576, %get3A_582 : vector<16xf32>
      %mul3A_593 = arith.mulf %get3A_579, %get3A_585 : vector<16xf32>
      %add3A_594 = arith.addf %mul3A_592, %mul3A_593 : vector<16xf32>
      %reduce_sum3A_595 = arith.constant true
      %reduce_sum3A_596 = vector.broadcast %reduce_sum3A_595 : i1 to vector<16xi1>
      %reduce_sum3A_597 = tpu.scan <sum>, %add3A_594 masked %reduce_sum3A_596 : vector<16xf32>, vector<16xi1> -> vector<16xf32>
      %reduce_sum3A_598 = vector.extract %reduce_sum3A_597[15] : f32 from vector<16xf32>
      %mul3A_599 = arith.mulf %get3A_576, %get3A_588 : vector<16xf32>
      %mul3A_600 = arith.mulf %get3A_579, %get3A_591 : vector<16xf32>
      %add3A_601 = arith.addf %mul3A_599, %mul3A_600 : vector<16xf32>
      %reduce_sum3A_602 = arith.constant true
      %reduce_sum3A_603 = vector.broadcast %reduce_sum3A_602 : i1 to vector<16xi1>
      %reduce_sum3A_604 = tpu.scan <sum>, %add3A_601 masked %reduce_sum3A_603 : vector<16xf32>, vector<16xi1> -> vector<16xf32>
      %reduce_sum3A_605 = vector.extract %reduce_sum3A_604[15] : f32 from vector<16xf32>
      %eq3A_606 = arith.constant 8 : i32
      %eq3A_607 = vector.broadcast %eq3A_606 : i32 to vector<16xi32>
      %eq3A_608 = arith.cmpi eq, %iota3A, %eq3A_607 : vector<16xi32>
      %broadcast_in_dim3A_609 = vector.broadcast %reduce_sum3A_598 : f32 to vector<16xf32>
      %select_n3A_610 = arith.select %eq3A_608, %broadcast_in_dim3A_609, %select_n3A_564 : vector<16xi1>, vector<16xf32>
      %eq3A_611 = arith.constant 8 : i32
      %eq3A_612 = vector.broadcast %eq3A_611 : i32 to vector<16xi32>
      %eq3A_613 = arith.cmpi eq, %iota3A, %eq3A_612 : vector<16xi32>
      %broadcast_in_dim3A_614 = vector.broadcast %reduce_sum3A_605 : f32 to vector<16xf32>
      %select_n3A_615 = arith.select %eq3A_613, %broadcast_in_dim3A_614, %select_n3A_569 : vector<16xi1>, vector<16xf32>
      %mul3A_616 = arith.constant 16 : i32
      %mul3A_617 = arith.muli %scan3A_200, %mul3A_616 : i32
      %add3A_618 = arith.constant 9 : i32
      %add3A_619 = arith.addi %mul3A_617, %add3A_618 : i32
      %get3A_620 = arith.index_cast %add3A_619 : i32 to index
      %get3A_621 = arith.constant 0 : index
      %get3A_622 = tpu.vector_load %arg11[%get3A_620, %get3A_621] {strides = array<i32>} : memref<512x32xf32, #tpu.memory_space<vmem>>, vector<16xf32>,
      %get3A_623 = arith.index_cast %add3A_619 : i32 to index
      %get3A_624 = arith.constant 16 : index
      %get3A_625 = tpu.vector_load %arg11[%get3A_623, %get3A_624] {strides = array<i32>} : memref<512x32xf32, #tpu.memory_space<vmem>>, vector<16xf32>,
      %get3A_626 = arith.index_cast %add3A_619 : i32 to index
      %get3A_627 = arith.constant 0 : index
      %get3A_628 = tpu.vector_load %arg12[%get3A_626, %get3A_627] {strides = array<i32>} : memref<512x32xf32, #tpu.memory_space<vmem>>, vector<16xf32>,
      %get3A_629 = arith.index_cast %add3A_619 : i32 to index
      %get3A_630 = arith.constant 16 : index
      %get3A_631 = tpu.vector_load %arg12[%get3A_629, %get3A_630] {strides = array<i32>} : memref<512x32xf32, #tpu.memory_space<vmem>>, vector<16xf32>,
      %get3A_632 = arith.index_cast %add3A_619 : i32 to index
      %get3A_633 = arith.constant 0 : index
      %get3A_634 = tpu.vector_load %arg13[%get3A_632, %get3A_633] {strides = array<i32>} : memref<512x32xf32, #tpu.memory_space<vmem>>, vector<16xf32>,
      %get3A_635 = arith.index_cast %add3A_619 : i32 to index
      %get3A_636 = arith.constant 16 : index
      %get3A_637 = tpu.vector_load %arg13[%get3A_635, %get3A_636] {strides = array<i32>} : memref<512x32xf32, #tpu.memory_space<vmem>>, vector<16xf32>,
      %mul3A_638 = arith.mulf %get3A_622, %get3A_628 : vector<16xf32>
      %mul3A_639 = arith.mulf %get3A_625, %get3A_631 : vector<16xf32>
      %add3A_640 = arith.addf %mul3A_638, %mul3A_639 : vector<16xf32>
      %reduce_sum3A_641 = arith.constant true
      %reduce_sum3A_642 = vector.broadcast %reduce_sum3A_641 : i1 to vector<16xi1>
      %reduce_sum3A_643 = tpu.scan <sum>, %add3A_640 masked %reduce_sum3A_642 : vector<16xf32>, vector<16xi1> -> vector<16xf32>
      %reduce_sum3A_644 = vector.extract %reduce_sum3A_643[15] : f32 from vector<16xf32>
      %mul3A_645 = arith.mulf %get3A_622, %get3A_634 : vector<16xf32>
      %mul3A_646 = arith.mulf %get3A_625, %get3A_637 : vector<16xf32>
      %add3A_647 = arith.addf %mul3A_645, %mul3A_646 : vector<16xf32>
      %reduce_sum3A_648 = arith.constant true
      %reduce_sum3A_649 = vector.broadcast %reduce_sum3A_648 : i1 to vector<16xi1>
      %reduce_sum3A_650 = tpu.scan <sum>, %add3A_647 masked %reduce_sum3A_649 : vector<16xf32>, vector<16xi1> -> vector<16xf32>
      %reduce_sum3A_651 = vector.extract %reduce_sum3A_650[15] : f32 from vector<16xf32>
      %eq3A_652 = arith.constant 9 : i32
      %eq3A_653 = vector.broadcast %eq3A_652 : i32 to vector<16xi32>
      %eq3A_654 = arith.cmpi eq, %iota3A, %eq3A_653 : vector<16xi32>
      %broadcast_in_dim3A_655 = vector.broadcast %reduce_sum3A_644 : f32 to vector<16xf32>
      %select_n3A_656 = arith.select %eq3A_654, %broadcast_in_dim3A_655, %select_n3A_610 : vector<16xi1>, vector<16xf32>
      %eq3A_657 = arith.constant 9 : i32
      %eq3A_658 = vector.broadcast %eq3A_657 : i32 to vector<16xi32>
      %eq3A_659 = arith.cmpi eq, %iota3A, %eq3A_658 : vector<16xi32>
      %broadcast_in_dim3A_660 = vector.broadcast %reduce_sum3A_651 : f32 to vector<16xf32>
      %select_n3A_661 = arith.select %eq3A_659, %broadcast_in_dim3A_660, %select_n3A_615 : vector<16xi1>, vector<16xf32>
      %mul3A_662 = arith.constant 16 : i32
      %mul3A_663 = arith.muli %scan3A_200, %mul3A_662 : i32
      %add3A_664 = arith.constant 10 : i32
      %add3A_665 = arith.addi %mul3A_663, %add3A_664 : i32
      %get3A_666 = arith.index_cast %add3A_665 : i32 to index
      %get3A_667 = arith.constant 0 : index
      %get3A_668 = tpu.vector_load %arg11[%get3A_666, %get3A_667] {strides = array<i32>} : memref<512x32xf32, #tpu.memory_space<vmem>>, vector<16xf32>,
      %get3A_669 = arith.index_cast %add3A_665 : i32 to index
      %get3A_670 = arith.constant 16 : index
      %get3A_671 = tpu.vector_load %arg11[%get3A_669, %get3A_670] {strides = array<i32>} : memref<512x32xf32, #tpu.memory_space<vmem>>, vector<16xf32>,
      %get3A_672 = arith.index_cast %add3A_665 : i32 to index
      %get3A_673 = arith.constant 0 : index
      %get3A_674 = tpu.vector_load %arg12[%get3A_672, %get3A_673] {strides = array<i32>} : memref<512x32xf32, #tpu.memory_space<vmem>>, vector<16xf32>,
      %get3A_675 = arith.index_cast %add3A_665 : i32 to index
      %get3A_676 = arith.constant 16 : index
      %get3A_677 = tpu.vector_load %arg12[%get3A_675, %get3A_676] {strides = array<i32>} : memref<512x32xf32, #tpu.memory_space<vmem>>, vector<16xf32>,
      %get3A_678 = arith.index_cast %add3A_665 : i32 to index
      %get3A_679 = arith.constant 0 : index
      %get3A_680 = tpu.vector_load %arg13[%get3A_678, %get3A_679] {strides = array<i32>} : memref<512x32xf32, #tpu.memory_space<vmem>>, vector<16xf32>,
      %get3A_681 = arith.index_cast %add3A_665 : i32 to index
      %get3A_682 = arith.constant 16 : index
      %get3A_683 = tpu.vector_load %arg13[%get3A_681, %get3A_682] {strides = array<i32>} : memref<512x32xf32, #tpu.memory_space<vmem>>, vector<16xf32>,
      %mul3A_684 = arith.mulf %get3A_668, %get3A_674 : vector<16xf32>
      %mul3A_685 = arith.mulf %get3A_671, %get3A_677 : vector<16xf32>
      %add3A_686 = arith.addf %mul3A_684, %mul3A_685 : vector<16xf32>
      %reduce_sum3A_687 = arith.constant true
      %reduce_sum3A_688 = vector.broadcast %reduce_sum3A_687 : i1 to vector<16xi1>
      %reduce_sum3A_689 = tpu.scan <sum>, %add3A_686 masked %reduce_sum3A_688 : vector<16xf32>, vector<16xi1> -> vector<16xf32>
      %reduce_sum3A_690 = vector.extract %reduce_sum3A_689[15] : f32 from vector<16xf32>
      %mul3A_691 = arith.mulf %get3A_668, %get3A_680 : vector<16xf32>
      %mul3A_692 = arith.mulf %get3A_671, %get3A_683 : vector<16xf32>
      %add3A_693 = arith.addf %mul3A_691, %mul3A_692 : vector<16xf32>
      %reduce_sum3A_694 = arith.constant true
      %reduce_sum3A_695 = vector.broadcast %reduce_sum3A_694 : i1 to vector<16xi1>
      %reduce_sum3A_696 = tpu.scan <sum>, %add3A_693 masked %reduce_sum3A_695 : vector<16xf32>, vector<16xi1> -> vector<16xf32>
      %reduce_sum3A_697 = vector.extract %reduce_sum3A_696[15] : f32 from vector<16xf32>
      %eq3A_698 = arith.constant 10 : i32
      %eq3A_699 = vector.broadcast %eq3A_698 : i32 to vector<16xi32>
      %eq3A_700 = arith.cmpi eq, %iota3A, %eq3A_699 : vector<16xi32>
      %broadcast_in_dim3A_701 = vector.broadcast %reduce_sum3A_690 : f32 to vector<16xf32>
      %select_n3A_702 = arith.select %eq3A_700, %broadcast_in_dim3A_701, %select_n3A_656 : vector<16xi1>, vector<16xf32>
      %eq3A_703 = arith.constant 10 : i32
      %eq3A_704 = vector.broadcast %eq3A_703 : i32 to vector<16xi32>
      %eq3A_705 = arith.cmpi eq, %iota3A, %eq3A_704 : vector<16xi32>
      %broadcast_in_dim3A_706 = vector.broadcast %reduce_sum3A_697 : f32 to vector<16xf32>
      %select_n3A_707 = arith.select %eq3A_705, %broadcast_in_dim3A_706, %select_n3A_661 : vector<16xi1>, vector<16xf32>
      %mul3A_708 = arith.constant 16 : i32
      %mul3A_709 = arith.muli %scan3A_200, %mul3A_708 : i32
      %add3A_710 = arith.constant 11 : i32
      %add3A_711 = arith.addi %mul3A_709, %add3A_710 : i32
      %get3A_712 = arith.index_cast %add3A_711 : i32 to index
      %get3A_713 = arith.constant 0 : index
      %get3A_714 = tpu.vector_load %arg11[%get3A_712, %get3A_713] {strides = array<i32>} : memref<512x32xf32, #tpu.memory_space<vmem>>, vector<16xf32>,
      %get3A_715 = arith.index_cast %add3A_711 : i32 to index
      %get3A_716 = arith.constant 16 : index
      %get3A_717 = tpu.vector_load %arg11[%get3A_715, %get3A_716] {strides = array<i32>} : memref<512x32xf32, #tpu.memory_space<vmem>>, vector<16xf32>,
      %get3A_718 = arith.index_cast %add3A_711 : i32 to index
      %get3A_719 = arith.constant 0 : index
      %get3A_720 = tpu.vector_load %arg12[%get3A_718, %get3A_719] {strides = array<i32>} : memref<512x32xf32, #tpu.memory_space<vmem>>, vector<16xf32>,
      %get3A_721 = arith.index_cast %add3A_711 : i32 to index
      %get3A_722 = arith.constant 16 : index
      %get3A_723 = tpu.vector_load %arg12[%get3A_721, %get3A_722] {strides = array<i32>} : memref<512x32xf32, #tpu.memory_space<vmem>>, vector<16xf32>,
      %get3A_724 = arith.index_cast %add3A_711 : i32 to index
      %get3A_725 = arith.constant 0 : index
      %get3A_726 = tpu.vector_load %arg13[%get3A_724, %get3A_725] {strides = array<i32>} : memref<512x32xf32, #tpu.memory_space<vmem>>, vector<16xf32>,
      %get3A_727 = arith.index_cast %add3A_711 : i32 to index
      %get3A_728 = arith.constant 16 : index
      %get3A_729 = tpu.vector_load %arg13[%get3A_727, %get3A_728] {strides = array<i32>} : memref<512x32xf32, #tpu.memory_space<vmem>>, vector<16xf32>,
      %mul3A_730 = arith.mulf %get3A_714, %get3A_720 : vector<16xf32>
      %mul3A_731 = arith.mulf %get3A_717, %get3A_723 : vector<16xf32>
      %add3A_732 = arith.addf %mul3A_730, %mul3A_731 : vector<16xf32>
      %reduce_sum3A_733 = arith.constant true
      %reduce_sum3A_734 = vector.broadcast %reduce_sum3A_733 : i1 to vector<16xi1>
      %reduce_sum3A_735 = tpu.scan <sum>, %add3A_732 masked %reduce_sum3A_734 : vector<16xf32>, vector<16xi1> -> vector<16xf32>
      %reduce_sum3A_736 = vector.extract %reduce_sum3A_735[15] : f32 from vector<16xf32>
      %mul3A_737 = arith.mulf %get3A_714, %get3A_726 : vector<16xf32>
      %mul3A_738 = arith.mulf %get3A_717, %get3A_729 : vector<16xf32>
      %add3A_739 = arith.addf %mul3A_737, %mul3A_738 : vector<16xf32>
      %reduce_sum3A_740 = arith.constant true
      %reduce_sum3A_741 = vector.broadcast %reduce_sum3A_740 : i1 to vector<16xi1>
      %reduce_sum3A_742 = tpu.scan <sum>, %add3A_739 masked %reduce_sum3A_741 : vector<16xf32>, vector<16xi1> -> vector<16xf32>
      %reduce_sum3A_743 = vector.extract %reduce_sum3A_742[15] : f32 from vector<16xf32>
      %eq3A_744 = arith.constant 11 : i32
      %eq3A_745 = vector.broadcast %eq3A_744 : i32 to vector<16xi32>
      %eq3A_746 = arith.cmpi eq, %iota3A, %eq3A_745 : vector<16xi32>
      %broadcast_in_dim3A_747 = vector.broadcast %reduce_sum3A_736 : f32 to vector<16xf32>
      %select_n3A_748 = arith.select %eq3A_746, %broadcast_in_dim3A_747, %select_n3A_702 : vector<16xi1>, vector<16xf32>
      %eq3A_749 = arith.constant 11 : i32
      %eq3A_750 = vector.broadcast %eq3A_749 : i32 to vector<16xi32>
      %eq3A_751 = arith.cmpi eq, %iota3A, %eq3A_750 : vector<16xi32>
      %broadcast_in_dim3A_752 = vector.broadcast %reduce_sum3A_743 : f32 to vector<16xf32>
      %select_n3A_753 = arith.select %eq3A_751, %broadcast_in_dim3A_752, %select_n3A_707 : vector<16xi1>, vector<16xf32>
      %mul3A_754 = arith.constant 16 : i32
      %mul3A_755 = arith.muli %scan3A_200, %mul3A_754 : i32
      %add3A_756 = arith.constant 12 : i32
      %add3A_757 = arith.addi %mul3A_755, %add3A_756 : i32
      %get3A_758 = arith.index_cast %add3A_757 : i32 to index
      %get3A_759 = arith.constant 0 : index
      %get3A_760 = tpu.vector_load %arg11[%get3A_758, %get3A_759] {strides = array<i32>} : memref<512x32xf32, #tpu.memory_space<vmem>>, vector<16xf32>,
      %get3A_761 = arith.index_cast %add3A_757 : i32 to index
      %get3A_762 = arith.constant 16 : index
      %get3A_763 = tpu.vector_load %arg11[%get3A_761, %get3A_762] {strides = array<i32>} : memref<512x32xf32, #tpu.memory_space<vmem>>, vector<16xf32>,
      %get3A_764 = arith.index_cast %add3A_757 : i32 to index
      %get3A_765 = arith.constant 0 : index
      %get3A_766 = tpu.vector_load %arg12[%get3A_764, %get3A_765] {strides = array<i32>} : memref<512x32xf32, #tpu.memory_space<vmem>>, vector<16xf32>,
      %get3A_767 = arith.index_cast %add3A_757 : i32 to index
      %get3A_768 = arith.constant 16 : index
      %get3A_769 = tpu.vector_load %arg12[%get3A_767, %get3A_768] {strides = array<i32>} : memref<512x32xf32, #tpu.memory_space<vmem>>, vector<16xf32>,
      %get3A_770 = arith.index_cast %add3A_757 : i32 to index
      %get3A_771 = arith.constant 0 : index
      %get3A_772 = tpu.vector_load %arg13[%get3A_770, %get3A_771] {strides = array<i32>} : memref<512x32xf32, #tpu.memory_space<vmem>>, vector<16xf32>,
      %get3A_773 = arith.index_cast %add3A_757 : i32 to index
      %get3A_774 = arith.constant 16 : index
      %get3A_775 = tpu.vector_load %arg13[%get3A_773, %get3A_774] {strides = array<i32>} : memref<512x32xf32, #tpu.memory_space<vmem>>, vector<16xf32>,
      %mul3A_776 = arith.mulf %get3A_760, %get3A_766 : vector<16xf32>
      %mul3A_777 = arith.mulf %get3A_763, %get3A_769 : vector<16xf32>
      %add3A_778 = arith.addf %mul3A_776, %mul3A_777 : vector<16xf32>
      %reduce_sum3A_779 = arith.constant true
      %reduce_sum3A_780 = vector.broadcast %reduce_sum3A_779 : i1 to vector<16xi1>
      %reduce_sum3A_781 = tpu.scan <sum>, %add3A_778 masked %reduce_sum3A_780 : vector<16xf32>, vector<16xi1> -> vector<16xf32>
      %reduce_sum3A_782 = vector.extract %reduce_sum3A_781[15] : f32 from vector<16xf32>
      %mul3A_783 = arith.mulf %get3A_760, %get3A_772 : vector<16xf32>
      %mul3A_784 = arith.mulf %get3A_763, %get3A_775 : vector<16xf32>
      %add3A_785 = arith.addf %mul3A_783, %mul3A_784 : vector<16xf32>
      %reduce_sum3A_786 = arith.constant true
      %reduce_sum3A_787 = vector.broadcast %reduce_sum3A_786 : i1 to vector<16xi1>
      %reduce_sum3A_788 = tpu.scan <sum>, %add3A_785 masked %reduce_sum3A_787 : vector<16xf32>, vector<16xi1> -> vector<16xf32>
      %reduce_sum3A_789 = vector.extract %reduce_sum3A_788[15] : f32 from vector<16xf32>
      %eq3A_790 = arith.constant 12 : i32
      %eq3A_791 = vector.broadcast %eq3A_790 : i32 to vector<16xi32>
      %eq3A_792 = arith.cmpi eq, %iota3A, %eq3A_791 : vector<16xi32>
      %broadcast_in_dim3A_793 = vector.broadcast %reduce_sum3A_782 : f32 to vector<16xf32>
      %select_n3A_794 = arith.select %eq3A_792, %broadcast_in_dim3A_793, %select_n3A_748 : vector<16xi1>, vector<16xf32>
      %eq3A_795 = arith.constant 12 : i32
      %eq3A_796 = vector.broadcast %eq3A_795 : i32 to vector<16xi32>
      %eq3A_797 = arith.cmpi eq, %iota3A, %eq3A_796 : vector<16xi32>
      %broadcast_in_dim3A_798 = vector.broadcast %reduce_sum3A_789 : f32 to vector<16xf32>
      %select_n3A_799 = arith.select %eq3A_797, %broadcast_in_dim3A_798, %select_n3A_753 : vector<16xi1>, vector<16xf32>
      %mul3A_800 = arith.constant 16 : i32
      %mul3A_801 = arith.muli %scan3A_200, %mul3A_800 : i32
      %add3A_802 = arith.constant 13 : i32
      %add3A_803 = arith.addi %mul3A_801, %add3A_802 : i32
      %get3A_804 = arith.index_cast %add3A_803 : i32 to index
      %get3A_805 = arith.constant 0 : index
      %get3A_806 = tpu.vector_load %arg11[%get3A_804, %get3A_805] {strides = array<i32>} : memref<512x32xf32, #tpu.memory_space<vmem>>, vector<16xf32>,
      %get3A_807 = arith.index_cast %add3A_803 : i32 to index
      %get3A_808 = arith.constant 16 : index
      %get3A_809 = tpu.vector_load %arg11[%get3A_807, %get3A_808] {strides = array<i32>} : memref<512x32xf32, #tpu.memory_space<vmem>>, vector<16xf32>,
      %get3A_810 = arith.index_cast %add3A_803 : i32 to index
      %get3A_811 = arith.constant 0 : index
      %get3A_812 = tpu.vector_load %arg12[%get3A_810, %get3A_811] {strides = array<i32>} : memref<512x32xf32, #tpu.memory_space<vmem>>, vector<16xf32>,
      %get3A_813 = arith.index_cast %add3A_803 : i32 to index
      %get3A_814 = arith.constant 16 : index
      %get3A_815 = tpu.vector_load %arg12[%get3A_813, %get3A_814] {strides = array<i32>} : memref<512x32xf32, #tpu.memory_space<vmem>>, vector<16xf32>,
      %get3A_816 = arith.index_cast %add3A_803 : i32 to index
      %get3A_817 = arith.constant 0 : index
      %get3A_818 = tpu.vector_load %arg13[%get3A_816, %get3A_817] {strides = array<i32>} : memref<512x32xf32, #tpu.memory_space<vmem>>, vector<16xf32>,
      %get3A_819 = arith.index_cast %add3A_803 : i32 to index
      %get3A_820 = arith.constant 16 : index
      %get3A_821 = tpu.vector_load %arg13[%get3A_819, %get3A_820] {strides = array<i32>} : memref<512x32xf32, #tpu.memory_space<vmem>>, vector<16xf32>,
      %mul3A_822 = arith.mulf %get3A_806, %get3A_812 : vector<16xf32>
      %mul3A_823 = arith.mulf %get3A_809, %get3A_815 : vector<16xf32>
      %add3A_824 = arith.addf %mul3A_822, %mul3A_823 : vector<16xf32>
      %reduce_sum3A_825 = arith.constant true
      %reduce_sum3A_826 = vector.broadcast %reduce_sum3A_825 : i1 to vector<16xi1>
      %reduce_sum3A_827 = tpu.scan <sum>, %add3A_824 masked %reduce_sum3A_826 : vector<16xf32>, vector<16xi1> -> vector<16xf32>
      %reduce_sum3A_828 = vector.extract %reduce_sum3A_827[15] : f32 from vector<16xf32>
      %mul3A_829 = arith.mulf %get3A_806, %get3A_818 : vector<16xf32>
      %mul3A_830 = arith.mulf %get3A_809, %get3A_821 : vector<16xf32>
      %add3A_831 = arith.addf %mul3A_829, %mul3A_830 : vector<16xf32>
      %reduce_sum3A_832 = arith.constant true
      %reduce_sum3A_833 = vector.broadcast %reduce_sum3A_832 : i1 to vector<16xi1>
      %reduce_sum3A_834 = tpu.scan <sum>, %add3A_831 masked %reduce_sum3A_833 : vector<16xf32>, vector<16xi1> -> vector<16xf32>
      %reduce_sum3A_835 = vector.extract %reduce_sum3A_834[15] : f32 from vector<16xf32>
      %eq3A_836 = arith.constant 13 : i32
      %eq3A_837 = vector.broadcast %eq3A_836 : i32 to vector<16xi32>
      %eq3A_838 = arith.cmpi eq, %iota3A, %eq3A_837 : vector<16xi32>
      %broadcast_in_dim3A_839 = vector.broadcast %reduce_sum3A_828 : f32 to vector<16xf32>
      %select_n3A_840 = arith.select %eq3A_838, %broadcast_in_dim3A_839, %select_n3A_794 : vector<16xi1>, vector<16xf32>
      %eq3A_841 = arith.constant 13 : i32
      %eq3A_842 = vector.broadcast %eq3A_841 : i32 to vector<16xi32>
      %eq3A_843 = arith.cmpi eq, %iota3A, %eq3A_842 : vector<16xi32>
      %broadcast_in_dim3A_844 = vector.broadcast %reduce_sum3A_835 : f32 to vector<16xf32>
      %select_n3A_845 = arith.select %eq3A_843, %broadcast_in_dim3A_844, %select_n3A_799 : vector<16xi1>, vector<16xf32>
      %mul3A_846 = arith.constant 16 : i32
      %mul3A_847 = arith.muli %scan3A_200, %mul3A_846 : i32
      %add3A_848 = arith.constant 14 : i32
      %add3A_849 = arith.addi %mul3A_847, %add3A_848 : i32
      %get3A_850 = arith.index_cast %add3A_849 : i32 to index
      %get3A_851 = arith.constant 0 : index
      %get3A_852 = tpu.vector_load %arg11[%get3A_850, %get3A_851] {strides = array<i32>} : memref<512x32xf32, #tpu.memory_space<vmem>>, vector<16xf32>,
      %get3A_853 = arith.index_cast %add3A_849 : i32 to index
      %get3A_854 = arith.constant 16 : index
      %get3A_855 = tpu.vector_load %arg11[%get3A_853, %get3A_854] {strides = array<i32>} : memref<512x32xf32, #tpu.memory_space<vmem>>, vector<16xf32>,
      %get3A_856 = arith.index_cast %add3A_849 : i32 to index
      %get3A_857 = arith.constant 0 : index
      %get3A_858 = tpu.vector_load %arg12[%get3A_856, %get3A_857] {strides = array<i32>} : memref<512x32xf32, #tpu.memory_space<vmem>>, vector<16xf32>,
      %get3A_859 = arith.index_cast %add3A_849 : i32 to index
      %get3A_860 = arith.constant 16 : index
      %get3A_861 = tpu.vector_load %arg12[%get3A_859, %get3A_860] {strides = array<i32>} : memref<512x32xf32, #tpu.memory_space<vmem>>, vector<16xf32>,
      %get3A_862 = arith.index_cast %add3A_849 : i32 to index
      %get3A_863 = arith.constant 0 : index
      %get3A_864 = tpu.vector_load %arg13[%get3A_862, %get3A_863] {strides = array<i32>} : memref<512x32xf32, #tpu.memory_space<vmem>>, vector<16xf32>,
      %get3A_865 = arith.index_cast %add3A_849 : i32 to index
      %get3A_866 = arith.constant 16 : index
      %get3A_867 = tpu.vector_load %arg13[%get3A_865, %get3A_866] {strides = array<i32>} : memref<512x32xf32, #tpu.memory_space<vmem>>, vector<16xf32>,
      %mul3A_868 = arith.mulf %get3A_852, %get3A_858 : vector<16xf32>
      %mul3A_869 = arith.mulf %get3A_855, %get3A_861 : vector<16xf32>
      %add3A_870 = arith.addf %mul3A_868, %mul3A_869 : vector<16xf32>
      %reduce_sum3A_871 = arith.constant true
      %reduce_sum3A_872 = vector.broadcast %reduce_sum3A_871 : i1 to vector<16xi1>
      %reduce_sum3A_873 = tpu.scan <sum>, %add3A_870 masked %reduce_sum3A_872 : vector<16xf32>, vector<16xi1> -> vector<16xf32>
      %reduce_sum3A_874 = vector.extract %reduce_sum3A_873[15] : f32 from vector<16xf32>
      %mul3A_875 = arith.mulf %get3A_852, %get3A_864 : vector<16xf32>
      %mul3A_876 = arith.mulf %get3A_855, %get3A_867 : vector<16xf32>
      %add3A_877 = arith.addf %mul3A_875, %mul3A_876 : vector<16xf32>
      %reduce_sum3A_878 = arith.constant true
      %reduce_sum3A_879 = vector.broadcast %reduce_sum3A_878 : i1 to vector<16xi1>
      %reduce_sum3A_880 = tpu.scan <sum>, %add3A_877 masked %reduce_sum3A_879 : vector<16xf32>, vector<16xi1> -> vector<16xf32>
      %reduce_sum3A_881 = vector.extract %reduce_sum3A_880[15] : f32 from vector<16xf32>
      %eq3A_882 = arith.constant 14 : i32
      %eq3A_883 = vector.broadcast %eq3A_882 : i32 to vector<16xi32>
      %eq3A_884 = arith.cmpi eq, %iota3A, %eq3A_883 : vector<16xi32>
      %broadcast_in_dim3A_885 = vector.broadcast %reduce_sum3A_874 : f32 to vector<16xf32>
      %select_n3A_886 = arith.select %eq3A_884, %broadcast_in_dim3A_885, %select_n3A_840 : vector<16xi1>, vector<16xf32>
      %eq3A_887 = arith.constant 14 : i32
      %eq3A_888 = vector.broadcast %eq3A_887 : i32 to vector<16xi32>
      %eq3A_889 = arith.cmpi eq, %iota3A, %eq3A_888 : vector<16xi32>
      %broadcast_in_dim3A_890 = vector.broadcast %reduce_sum3A_881 : f32 to vector<16xf32>
      %select_n3A_891 = arith.select %eq3A_889, %broadcast_in_dim3A_890, %select_n3A_845 : vector<16xi1>, vector<16xf32>
      %mul3A_892 = arith.constant 16 : i32
      %mul3A_893 = arith.muli %scan3A_200, %mul3A_892 : i32
      %add3A_894 = arith.constant 15 : i32
      %add3A_895 = arith.addi %mul3A_893, %add3A_894 : i32
      %get3A_896 = arith.index_cast %add3A_895 : i32 to index
      %get3A_897 = arith.constant 0 : index
      %get3A_898 = tpu.vector_load %arg11[%get3A_896, %get3A_897] {strides = array<i32>} : memref<512x32xf32, #tpu.memory_space<vmem>>, vector<16xf32>,
      %get3A_899 = arith.index_cast %add3A_895 : i32 to index
      %get3A_900 = arith.constant 16 : index
      %get3A_901 = tpu.vector_load %arg11[%get3A_899, %get3A_900] {strides = array<i32>} : memref<512x32xf32, #tpu.memory_space<vmem>>, vector<16xf32>,
      %get3A_902 = arith.index_cast %add3A_895 : i32 to index
      %get3A_903 = arith.constant 0 : index
      %get3A_904 = tpu.vector_load %arg12[%get3A_902, %get3A_903] {strides = array<i32>} : memref<512x32xf32, #tpu.memory_space<vmem>>, vector<16xf32>,
      %get3A_905 = arith.index_cast %add3A_895 : i32 to index
      %get3A_906 = arith.constant 16 : index
      %get3A_907 = tpu.vector_load %arg12[%get3A_905, %get3A_906] {strides = array<i32>} : memref<512x32xf32, #tpu.memory_space<vmem>>, vector<16xf32>,
      %get3A_908 = arith.index_cast %add3A_895 : i32 to index
      %get3A_909 = arith.constant 0 : index
      %get3A_910 = tpu.vector_load %arg13[%get3A_908, %get3A_909] {strides = array<i32>} : memref<512x32xf32, #tpu.memory_space<vmem>>, vector<16xf32>,
      %get3A_911 = arith.index_cast %add3A_895 : i32 to index
      %get3A_912 = arith.constant 16 : index
      %get3A_913 = tpu.vector_load %arg13[%get3A_911, %get3A_912] {strides = array<i32>} : memref<512x32xf32, #tpu.memory_space<vmem>>, vector<16xf32>,
      %mul3A_914 = arith.mulf %get3A_898, %get3A_904 : vector<16xf32>
      %mul3A_915 = arith.mulf %get3A_901, %get3A_907 : vector<16xf32>
      %add3A_916 = arith.addf %mul3A_914, %mul3A_915 : vector<16xf32>
      %reduce_sum3A_917 = arith.constant true
      %reduce_sum3A_918 = vector.broadcast %reduce_sum3A_917 : i1 to vector<16xi1>
      %reduce_sum3A_919 = tpu.scan <sum>, %add3A_916 masked %reduce_sum3A_918 : vector<16xf32>, vector<16xi1> -> vector<16xf32>
      %reduce_sum3A_920 = vector.extract %reduce_sum3A_919[15] : f32 from vector<16xf32>
      %mul3A_921 = arith.mulf %get3A_898, %get3A_910 : vector<16xf32>
      %mul3A_922 = arith.mulf %get3A_901, %get3A_913 : vector<16xf32>
      %add3A_923 = arith.addf %mul3A_921, %mul3A_922 : vector<16xf32>
      %reduce_sum3A_924 = arith.constant true
      %reduce_sum3A_925 = vector.broadcast %reduce_sum3A_924 : i1 to vector<16xi1>
      %reduce_sum3A_926 = tpu.scan <sum>, %add3A_923 masked %reduce_sum3A_925 : vector<16xf32>, vector<16xi1> -> vector<16xf32>
      %reduce_sum3A_927 = vector.extract %reduce_sum3A_926[15] : f32 from vector<16xf32>
      %eq3A_928 = arith.constant 15 : i32
      %eq3A_929 = vector.broadcast %eq3A_928 : i32 to vector<16xi32>
      %eq3A_930 = arith.cmpi eq, %iota3A, %eq3A_929 : vector<16xi32>
      %broadcast_in_dim3A_931 = vector.broadcast %reduce_sum3A_920 : f32 to vector<16xf32>
      %select_n3A_932 = arith.select %eq3A_930, %broadcast_in_dim3A_931, %select_n3A_886 : vector<16xi1>, vector<16xf32>
      %eq3A_933 = arith.constant 15 : i32
      %eq3A_934 = vector.broadcast %eq3A_933 : i32 to vector<16xi32>
      %eq3A_935 = arith.cmpi eq, %iota3A, %eq3A_934 : vector<16xi32>
      %broadcast_in_dim3A_936 = vector.broadcast %reduce_sum3A_927 : f32 to vector<16xf32>
      %select_n3A_937 = arith.select %eq3A_935, %broadcast_in_dim3A_936, %select_n3A_891 : vector<16xi1>, vector<16xf32>
      %abs3A = math.absf %select_n3A_932 : vector<16xf32>
      %neg3A = arith.constant 0.000000e+00 : f32
      %neg3A_938 = vector.broadcast %neg3A : f32 to vector<16xf32>
      %neg3A_939 = arith.subf %neg3A_938, %abs3A : vector<16xf32>
      %exp3A = math.exp %neg3A_939 : vector<16xf32>
      %add3A_940 = arith.constant 2.000000e+00 : f32
      %add3A_941 = vector.broadcast %add3A_940 : f32 to vector<16xf32>
      %add3A_942 = arith.addf %exp3A, %add3A_941 : vector<16xf32>
      %div3A = arith.divf %exp3A, %add3A_942 : vector<16xf32>
      %mul3A_943 = arith.mulf %div3A, %div3A : vector<16xf32>
      %mul3A_944 = arith.constant 0.111111112 : f32
      %mul3A_945 = vector.broadcast %mul3A_944 : f32 to vector<16xf32>
      %mul3A_946 = arith.mulf %mul3A_943, %mul3A_945 : vector<16xf32>
      %add3A_947 = arith.constant 0.142857149 : f32
      %add3A_948 = vector.broadcast %add3A_947 : f32 to vector<16xf32>
      %add3A_949 = arith.addf %add3A_948, %mul3A_946 : vector<16xf32>
      %mul3A_950 = arith.mulf %mul3A_943, %add3A_949 : vector<16xf32>
      %add3A_951 = arith.constant 2.000000e-01 : f32
      %add3A_952 = vector.broadcast %add3A_951 : f32 to vector<16xf32>
      %add3A_953 = arith.addf %add3A_952, %mul3A_950 : vector<16xf32>
      %mul3A_954 = arith.mulf %mul3A_943, %add3A_953 : vector<16xf32>
      %add3A_955 = arith.constant 0.333333343 : f32
      %add3A_956 = vector.broadcast %add3A_955 : f32 to vector<16xf32>
      %add3A_957 = arith.addf %add3A_956, %mul3A_954 : vector<16xf32>
      %mul3A_958 = arith.mulf %mul3A_943, %add3A_957 : vector<16xf32>
      %add3A_959 = arith.constant 1.000000e+00 : f32
      %add3A_960 = vector.broadcast %add3A_959 : f32 to vector<16xf32>
      %add3A_961 = arith.addf %add3A_960, %mul3A_958 : vector<16xf32>
      %min3A = arith.constant 0.000000e+00 : f32
      %min3A_962 = vector.broadcast %min3A : f32 to vector<16xf32>
      %min3A_963 = arith.minimumf %select_n3A_932, %min3A_962 : vector<16xf32>
      %mul3A_964 = arith.constant 2.000000e+00 : f32
      %mul3A_965 = vector.broadcast %mul3A_964 : f32 to vector<16xf32>
      %mul3A_966 = arith.mulf %mul3A_965, %div3A : vector<16xf32>
      %mul3A_967 = arith.mulf %mul3A_966, %add3A_961 : vector<16xf32>
      %sub3A = arith.subf %min3A_963, %mul3A_967 : vector<16xf32>
      %add3A_968 = arith.addf %scan3A_201, %sub3A : vector<16xf32>
      %neg3A_969 = arith.constant 0.000000e+00 : f32
      %neg3A_970 = vector.broadcast %neg3A_969 : f32 to vector<16xf32>
      %neg3A_971 = arith.subf %neg3A_970, %select_n3A_937 : vector<16xf32>
      %abs3A_972 = math.absf %neg3A_971 : vector<16xf32>
      %neg3A_973 = arith.constant 0.000000e+00 : f32
      %neg3A_974 = vector.broadcast %neg3A_973 : f32 to vector<16xf32>
      %neg3A_975 = arith.subf %neg3A_974, %abs3A_972 : vector<16xf32>
      %exp3A_976 = math.exp %neg3A_975 : vector<16xf32>
      %add3A_977 = arith.constant 2.000000e+00 : f32
      %add3A_978 = vector.broadcast %add3A_977 : f32 to vector<16xf32>
      %add3A_979 = arith.addf %exp3A_976, %add3A_978 : vector<16xf32>
      %div3A_980 = arith.divf %exp3A_976, %add3A_979 : vector<16xf32>
      %mul3A_981 = arith.mulf %div3A_980, %div3A_980 : vector<16xf32>
      %mul3A_982 = arith.constant 0.111111112 : f32
      %mul3A_983 = vector.broadcast %mul3A_982 : f32 to vector<16xf32>
      %mul3A_984 = arith.mulf %mul3A_981, %mul3A_983 : vector<16xf32>
      %add3A_985 = arith.constant 0.142857149 : f32
      %add3A_986 = vector.broadcast %add3A_985 : f32 to vector<16xf32>
      %add3A_987 = arith.addf %add3A_986, %mul3A_984 : vector<16xf32>
      %mul3A_988 = arith.mulf %mul3A_981, %add3A_987 : vector<16xf32>
      %add3A_989 = arith.constant 2.000000e-01 : f32
      %add3A_990 = vector.broadcast %add3A_989 : f32 to vector<16xf32>
      %add3A_991 = arith.addf %add3A_990, %mul3A_988 : vector<16xf32>
      %mul3A_992 = arith.mulf %mul3A_981, %add3A_991 : vector<16xf32>
      %add3A_993 = arith.constant 0.333333343 : f32
      %add3A_994 = vector.broadcast %add3A_993 : f32 to vector<16xf32>
      %add3A_995 = arith.addf %add3A_994, %mul3A_992 : vector<16xf32>
      %mul3A_996 = arith.mulf %mul3A_981, %add3A_995 : vector<16xf32>
      %add3A_997 = arith.constant 1.000000e+00 : f32
      %add3A_998 = vector.broadcast %add3A_997 : f32 to vector<16xf32>
      %add3A_999 = arith.addf %add3A_998, %mul3A_996 : vector<16xf32>
      %min3A_1000 = arith.constant 0.000000e+00 : f32
      %min3A_1001 = vector.broadcast %min3A_1000 : f32 to vector<16xf32>
      %min3A_1002 = arith.minimumf %neg3A_971, %min3A_1001 : vector<16xf32>
      %mul3A_1003 = arith.constant 2.000000e+00 : f32
      %mul3A_1004 = vector.broadcast %mul3A_1003 : f32 to vector<16xf32>
      %mul3A_1005 = arith.mulf %mul3A_1004, %div3A_980 : vector<16xf32>
      %mul3A_1006 = arith.mulf %mul3A_1005, %add3A_999 : vector<16xf32>
      %sub3A_1007 = arith.subf %min3A_1002, %mul3A_1006 : vector<16xf32>
      %add3A_1008 = arith.addf %add3A_968, %sub3A_1007 : vector<16xf32>
      scf.yield %add3A_1008 : vector<16xf32>
    }
    %scan3A_198 = arith.constant 32 : i32
    %swap3A = arith.constant 0 : index
    %swap3A_199 = tpu.vector_load %arg14[%swap3A] {strides = array<i32>} : memref<16xf32, #tpu.memory_space<vmem>>, vector<16xf32>,
    tpu.vector_store %arg14[%swap3A], %scan3A_197 {strides = array<i32>} : memref<16xf32, #tpu.memory_space<vmem>>, vector<16xf32>,
    "tpu.region"() ({
      %run_scoped3A = tpu.sem_alloc : memref<!tpu.dma_semaphore, #tpu.memory_space<semaphore_mem>>
      %dma_start3A_200 = arith.constant 0 : i32
      %dma_start3A_201 = tpu.memref_slice %arg7[%add3A, %dma_start3A_200] : memref<32x16xf32, #tpu.memory_space<hbm>> -> memref<1x16xf32, #tpu.memory_space<hbm>>
      %dma_start3A_202 = tpu.memref_squeeze %dma_start3A_201 : memref<1x16xf32, #tpu.memory_space<hbm>> -> memref<16xf32, #tpu.memory_space<hbm>>
      %dma_start3A_203 = arith.constant 0 : i32
      %dma_start3A_204 = tpu.memref_slice %arg7[%add3A, %dma_start3A_203] : memref<32x16xf32, #tpu.memory_space<hbm>> -> memref<1x16xf32, #tpu.memory_space<hbm>>
      %dma_start3A_205 = tpu.memref_squeeze %dma_start3A_204 : memref<1x16xf32, #tpu.memory_space<hbm>> -> memref<16xf32, #tpu.memory_space<hbm>>
      tpu.enqueue_dma source(%arg14 : memref<16xf32, #tpu.memory_space<vmem>>) target(%dma_start3A_205 : memref<16xf32, #tpu.memory_space<hbm>>) target_semaphore(%run_scoped3A : memref<!tpu.dma_semaphore, #tpu.memory_space<semaphore_mem>>)
      %dma_wait3A_206 = arith.constant 0 : i32
      %dma_wait3A_207 = tpu.memref_slice %arg7[%add3A, %dma_wait3A_206] : memref<32x16xf32, #tpu.memory_space<hbm>> -> memref<1x16xf32, #tpu.memory_space<hbm>>
      %dma_wait3A_208 = tpu.memref_squeeze %dma_wait3A_207 : memref<1x16xf32, #tpu.memory_space<hbm>> -> memref<16xf32, #tpu.memory_space<hbm>>
      %dma_wait3A_209 = arith.constant 0 : i32
      %dma_wait3A_210 = tpu.memref_slice %arg7[%add3A, %dma_wait3A_209] : memref<32x16xf32, #tpu.memory_space<hbm>> -> memref<1x16xf32, #tpu.memory_space<hbm>>
      %dma_wait3A_211 = tpu.memref_squeeze %dma_wait3A_210 : memref<1x16xf32, #tpu.memory_space<hbm>> -> memref<16xf32, #tpu.memory_space<hbm>>
      tpu.wait_dma2 semaphore(%run_scoped3A : memref<!tpu.dma_semaphore, #tpu.memory_space<semaphore_mem>>) src(%arg14 : memref<16xf32, #tpu.memory_space<vmem>>) dst(%dma_wait3A_211 : memref<16xf32, #tpu.memory_space<hbm>>)
      tpu.yield
    }) : () -> ()
    return
  }
}

module attributes {stable_mosaic.version = 14 : i64} {
  func.func @_loss_body(%arg0: memref<32x16xf32, #tpu.memory_space<vmem>>, %arg1: memref<1x1xf32, #tpu.memory_space<smem>>) attributes {dimension_semantics = [], scalar_prefetch = 0 : i64, scratch_operands = 0 : i64, tpu.core_type = #tpu.core_type<tc>} {
    %get3A = arith.constant 0 : index
    %get3A_0 = arith.constant 0 : index
    %get3A_1 = vector.load %arg0[%get3A, %get3A_0] : memref<32x16xf32, #tpu.memory_space<vmem>>, vector<32x16xf32>
    %reduce_sum3A = vector.shape_cast %get3A_1 : vector<32x16xf32> to vector<1x32x16xf32>
    %reduce_sum3A_2 = arith.constant dense<0.000000e+00> : vector<1xf32>
    %reduce_sum3A_3 = vector.multi_reduction <add>, %reduce_sum3A, %reduce_sum3A_2 [1, 2] : vector<1x32x16xf32> to vector<1xf32>
    %reduce_sum3A_4 = vector.shape_cast %reduce_sum3A_3 : vector<1xf32> to vector<1x1x1xf32>
    %reduce_sum3A_5 = vector.extract %reduce_sum3A_4[0, 0, 0] : f32 from vector<1x1x1xf32>
    %neg3A = arith.constant 0.000000e+00 : f32
    %neg3A_6 = arith.subf %neg3A, %reduce_sum3A_5 : f32
    %div3A = arith.constant 1.638400e+04 : f32
    %div3A_7 = arith.divf %neg3A_6, %div3A : f32
    %swap3A = arith.constant 0 : index
    %swap3A_8 = arith.constant 0 : index
    %swap3A_9 = memref.load %arg1[%swap3A, %swap3A_8] : memref<1x1xf32, #tpu.memory_space<smem>>
    memref.store %div3A_7, %arg1[%swap3A, %swap3A_8] : memref<1x1xf32, #tpu.memory_space<smem>>
    return
  }
}

</mosaic_0001>

<sc_bundles>
// kernel: kernel.4.cloned.1.call-start
scs
__scs_entry_jumppad:
0x0: {  	(pc) =	sbr.rel $0x88, $3  }
0x1: {  	(tag) =	ssettag $0x0;
	lr =	simm.s32 $0x1  }
0x2: {  	[smem:$0x3F9C] =	sst lr;
	_ =	strace $0xD0000000  }
0x3: {  	_ = 	snop  }
0x4: {  	_ = 	snop  }
0x5: {  	_ = 	snop  }
0x6: {  	_ = 	snop  }
0x7: {  	_ = 	snop  }
__scs_overlays_trampoline_lowered:
0x8: {  	[smem:$0x3FAB] =	sst s0  }
0x9: {  	[smem:$0x3FAC] =	sst s1  }
0xa: {  	[smem:$0x3FAD] =	sst s2  }
0xb: {  	[smem:$0x3FAE] =	sst s3  }
0xc: {  	[smem:$0x3FAF] =	sst s4  }
0xd: {  	[smem:$0x3FB0] =	sst s5  }
0xe: {  	[smem:$0x3FB1] =	sst s6  }
0xf: {  	[smem:$0x3FB2] =	sst s7  }
0x10: {  	[smem:$0x3FB3] =	sst s8  }
0x11: {  	[smem:$0x3FB4] =	sst s9;
	s0 =	simm.s32 @!p0 $0x0  }
0x12: {  	s1 =	sld [smem:$0x3F9A];
	s0 =	simm.s32 @p0 $0x1  }
0x13: {  	[smem:$0x3FB5] =	sst s0;
	s0 =	simm.s32 @!p1 $0x0  }
0x14: {  	s2 =	sld [smem:$0x3F99];
	s0 =	simm.s32 @p1 $0x1  }
0x15: {  	[smem:$0x3FB6] =	sst s0;
	s0 =	simm.s32 @!p2 $0x0  }
0x16: {  	s3 =	sld [smem:$0x3FDB];
	s0 =	simm.s32 @p2 $0x1  }
0x17: {  	s4 =	simm.s32 $0x1BF5;
	[smem:$0x3FB8] =	sst s0  }
0x18: {  	s0 =	sld [smem:$0x3F9B];
	_ =	swait.ge [sflag:s4], $0x0  }
0x19: {  	s7 =	sld [smem:$0x3F9C]  }
0x1a: {  	s8 =	sadd.s32 $0xFFFFE003, lr  }
0x1b: {  	s9 =	sadd.s32 $0xFFFFFEF7, lr;
	s5 =	simm.s32 $0xFFFFFFFF;
	p2 =	slt.u32 s8, $0xFFFFF086  }
0x1c: {  	p1 =	slt.u32 s9, $0xF7A;
	s5 =	simm.s32 @!p2 $0x0  }
0x1d: {  	s5 =	simm.s32 @p1 $0x1;
	p0 =	seq.s32 s7, s2  }
0x1e: {  	s7 =	smul.u32 @!p0 $0xF7A, s2;
	p2 =	seq.s32 @!p0 s5, $0x0  }
0x1f: {  	s9 =	smul.u32 $0xF7A, s1;
	s8 =	simm.s32 @!p0 $0x1BF5;
	p2 =	por !p2, p0  }
0x20: {  	[sflag:s8] =	ssyncset.s32 @!p0 $0xFFFFF086;
	s6 =	sadd.s32 @!p0 s3, s7;
	s7 =	simm.s32 @!p0 $0x108  }
0x21: {  	s3 =	sadd.s32 s3, s9;
	s6 =	sadd.s32 @!p0 $0x88, s6;
	s7 =	simm.s32 @p2 $0x1082  }
0x22: {  	[simem:s7], [sflag:s8] =	dma.local @!p0 [hbm:s6], $0xF7A  }
0x23: {  	s9 =	sor.u32 $0xD0000000, s2;
	s6 =	simm.s32 $0x108;
	_ =	swait.ge @!p0 [sflag:s8], $0x0  }
0x24: {  	s3 =	sadd.s32 $0x88, s3;
	s6 =	simm.s32 @!p1 $0x1082;
	[sflag:s4] =	ssyncset.s32 $0xFFFFF086  }
0x25: {  	[simem:s6], [sflag:s4] =	dma.local [hbm:s3], $0xF7A  }
0x26: {  	[smem:$0x3F9C] =	sst s1;
	(tag) =	ssettag s2;
	_ =	strace s9  }
0x27: {  	s1 =	sld [smem:$0x3FAC]  }
0x28: {  	s2 =	sld [smem:$0x3FAD]  }
0x29: {  	s4 =	sld [smem:$0x3FAF]  }
0x2a: {  	p0 =	seq.s32 s5, $0x0;
	s5 =	sld [smem:$0x3FB0]  }
0x2b: {  	s6 =	sld [smem:$0x3FB1]  }
0x2c: {  	s7 =	sld [smem:$0x3FB2]  }
0x2d: {  	s3 =	simm.s32 $0x108;
	s8 =	sld [smem:$0x3FB3]  }
0x2e: {  	s3 =	simm.s32 @!p0 $0x1082;
	s9 =	sld [smem:$0x3FB4]  }
0x2f: {  	lr =	sadd.s32 s0, s3;
	s0 =	sld [smem:$0x3FAB]  }
0x30: {  	s3 =	sld [smem:$0x3FAE]  }
0x31: {  	[smem:$0x3FB7] =	sst s10  }
0x32: {  	s10 =	sld [smem:$0x3FB5];
	_ =	sdelay $0x3  }
0x33: {  	p0 =	seq.s32 s10, $0x1;
	s10 =	sld [smem:$0x3FB7];
	_ =	sdelay $0x3  }
0x34: {  	[smem:$0x3FB7] =	sst s10  }
0x35: {  	s10 =	sld [smem:$0x3FB6];
	_ =	sdelay $0x3  }
0x36: {  	p1 =	seq.s32 s10, $0x1;
	s10 =	sld [smem:$0x3FB7];
	_ =	sdelay $0x3  }
0x37: {  	[smem:$0x3FB7] =	sst s10  }
0x38: {  	s10 =	sld [smem:$0x3FB8]  }
0x39: {  	_ = 	snop;
	(pc) =	sbr.ind lr, $3  }
0x3a: {  	_ = 	snop  }
0x3b: {  	_ = 	snop  }
0x3c: {  	p2 =	seq.s32 s10, $0x1;
	s10 =	sld [smem:$0x3FB7]  }
0x3d: {  	_ =	shalt  }
0x3e: {  	_ =	shalt  }
0x3f: {  	_ =	shalt  }
0x40: {  	_ =	shalt  }
0x41: {  	_ =	shalt  }
0x42: {  	_ =	shalt  }
0x43: {  	_ =	shalt  }
0x44: {  	_ =	shalt  }
0x45: {  	_ =	shalt  }
0x46: {  	_ =	shalt  }
0x47: {  	_ =	shalt  }
0x48: {  	_ =	shalt  }
0x49: {  	_ =	shalt  }
0x4a: {  	_ =	shalt  }
0x4b: {  	_ =	shalt  }
0x4c: {  	_ =	shalt  }
0x4d: {  	_ =	shalt  }
0x4e: {  	_ =	shalt  }
0x4f: {  	_ =	shalt  }
0x50: {  	_ =	shalt  }
0x51: {  	_ =	shalt  }
0x52: {  	_ =	shalt  }
0x53: {  	_ =	shalt  }
0x54: {  	_ =	shalt  }
0x55: {  	_ =	shalt  }
0x56: {  	_ =	shalt  }
0x57: {  	_ =	shalt  }
0x58: {  	_ =	shalt  }
0x59: {  	_ =	shalt  }
0x5a: {  	_ =	shalt  }
0x5b: {  	_ =	shalt  }
0x5c: {  	_ =	shalt  }
0x5d: {  	_ =	shalt  }
0x5e: {  	_ =	shalt  }
0x5f: {  	_ =	shalt  }
0x60: {  	_ =	shalt  }
0x61: {  	_ =	shalt  }
0x62: {  	_ =	shalt  }
0x63: {  	_ =	shalt  }
0x64: {  	_ =	shalt  }
0x65: {  	_ =	shalt  }
0x66: {  	_ =	shalt  }
0x67: {  	_ =	shalt  }
0x68: {  	_ =	shalt  }
0x69: {  	_ =	shalt  }
0x6a: {  	_ =	shalt  }
0x6b: {  	_ =	shalt  }
0x6c: {  	_ =	shalt  }
0x6d: {  	_ =	shalt  }
0x6e: {  	_ =	shalt  }
0x6f: {  	_ =	shalt  }
0x70: {  	_ =	shalt  }
0x71: {  	_ =	shalt  }
0x72: {  	_ =	shalt  }
0x73: {  	_ =	shalt  }
0x74: {  	_ =	shalt  }
0x75: {  	_ =	shalt  }
0x76: {  	_ =	shalt  }
0x77: {  	_ =	shalt  }
0x78: {  	_ =	shalt  }
0x79: {  	_ =	shalt  }
0x7a: {  	_ =	shalt  }
0x7b: {  	_ =	shalt  }
0x7c: {  	_ =	shalt  }
0x7d: {  	_ =	shalt  }
0x7e: {  	_ =	shalt  }
0x7f: {  	_ =	shalt  }
0x80: {  	_ =	shalt  }
0x81: {  	_ =	shalt  }
0x82: {  	_ =	shalt  }
0x83: {  	_ =	shalt  }
0x84: {  	_ =	shalt  }
0x85: {  	_ =	shalt  }
0x86: {  	_ =	shalt  }
0x87: {  	_ =	shalt  }
.Lfunc_end0:
.L_simem_size_0:
called_computation_lowered:
.L_overlay_start_0:
0x88: {  	s2 =	sld [smem:$0x3FD9]  }
0x89: {  	s3 =	sld [smem:$0x3FFE];
	_ =	sdelay $0x1  }
0x8a: {  	s1 =	srdreg.scid  }
0x8b: {  	s0 =	sand.u32 $0x1, s1  }
0x8c: {  	s17 =	sshll.u32 s0, $0xA;
	s2 =	sadd.s32 s3, s2  }
0x8d: {  	s2 =	sadd.s32 s2, s17  }
0x8e: {  	[smem:$0x3FC3] =	sst s2  }
0x8f: {  	_ = 	snop  }
0x90: {  	s2 =	sld [smem:$0x3FC9]  }
0x91: {  	s18 =	sld [smem:$0x3FC8]  }
0x92: {  	s4 =	sld [smem:$0x3FC7];
	(tm) =	ssettm $0x1  }
0x93: {  	s5 =	sld [smem:$0x3FFB];
	_ =	sdelay $0x3  }
0x94: {  	_ =	strace s5  }
0x95: {  	s5 =	sld [smem:$0x3FFC];
	_ =	sdelay $0x3  }
0x96: {  	_ =	strace s5  }
0x97: {  	s5 =	sld [smem:$0x3FFD];
	_ =	sdelay $0x3  }
0x98: {  	_ =	strace s5  }
0x99: {  	_ =	strace $0x8FFFFFFF  }
0x9a: {  	s19 =	sld [smem:$0x3FDB];
	_ =	sdelay $0x1  }
0x9b: {  	s6 =	simm.s32 $_scs_section_size  }
0x9c: {  	s7 =	simm.s32 $_size__tile_overlayer_lowered;
	s8 =	simm.s32 $_tile_overlayer_lowered  }
0x9d: {  	s22 =	simm.s32 $0x1BFF;
	s21 =	sshll.u32 s8, $0x1;
	s5 =	sadd.s32 s6, s19  }
0x9e: {  	s9 =	simm.s32 $0x0;
	s20 =	sshll.u32 s7, $0x1;
	s7 =	sadd.s32 s21, s5  }
0x9f: {  	[timem:s9], [sflag:s22] =	dma.local [hbm:s7], s20  }
0xa0: {  	_ =	swait.ge [sflag:s22], s20  }
0xa1: {  	s6 =	ssub.s32 $0x0, s20;
	[sflag:s22] =	ssyncset.done $0x0  }
0xa2: {  	[sflag:s22] =	ssyncadd.s32 s6;
	_ =	sdelay $0x1  }
0xa3: {  	s23 =	simm.s32 $0x1B8B  }
0xa4: {  	_ =	swait.ge [sflag:s23], $0x1  }
0xa5: {  	[sflag:s23] =	ssyncset.done $0x0  }
0xa6: {  	s25 =	simm.s32 $0x1B8E;
	s24 =	sld [smem:$0x3FFE];
	[sflag:s23] =	ssyncadd.s32 $0xFFFFFFFF  }
0xa7: {  	s26 =	simm.s32 $execute0_lowered;
	[smem:$0x3FD2] =	sst s25  }
0xa8: {  	s7 =	sshll.u32 s26, $0x1;
	_ =	strace $0x80000046;
	[dreg:$0x1] =	wrdreg $0xFFFFFFFF  }
0xa9: {  	s28 =	simm.s32 $_size_execute0_lowered;
	s5 =	sadd.s32 s5, s7;
	[dreg:$0x0] =	wrdreg $0x0  }
0xaa: {  	s7 =	sshll.u32 s28, $0x1;
	[dreg:$0x2] =	wrdreg s5  }
0xab: {  	[dreg:$0x3] =	wrdreg s7  }
0xac: {  	[dreg:$0x4] =	wrdreg $0xC0  }
0xad: {  	_ =	task [dreg:s9], $0x5FFFF  }
0xae: {  	[dreg:$0x1] =	wrdreg $0xFFFFFFFF  }
0xaf: {  	[dreg:$0x0] =	wrdreg $0x60  }
0xb0: {  	[dreg:$0x2] =	wrdreg s2  }
0xb1: {  	[dreg:$0x3] =	wrdreg s18  }
0xb2: {  	[dreg:$0x4] =	wrdreg s4  }
0xb3: {  	[dreg:$0x5] =	wrdreg s24  }
0xb4: {  	[dreg:$0x6] =	wrdreg $0x9  }
0xb5: {  	_ =	task.clear_ibuf [dreg:s9], $0x7FFFF;
	_ =	strace $0x90000046  }
0xb6: {  	s29 =	simm.s32 $0x9;
	_ =	strace $0x80000048  }
0xb7: {  	_ =	swait.ge [sflag:s29], $0x1  }
0xb8: {  	[sflag:s29] =	ssyncadd.s32 $0xFFFFFFFF  }
0xb9: {  	_ =	strace $0x90000048  }
0xba: {  	_ =	sfence  }
0xbb: {  	s30 =	sld [smem:$0x0];
	_ =	sdelay $0x2  }
0xbc: {  	s31 =	sshll.u32 s1, $0xD;
	s1 =	sshrl.u32 s1, $0x2  }
0xbd: {  	s3 =	sand.u32 $0x4000, s31;
	s1 =	sadd.s32 s1, s30  }
0xbe: {  	s0 =	sor.u32 s3, s0;
	s1 =	sshll.u32 s1, $0x11  }
0xbf: {  	s0 =	sor.u32 s1, s0  }
0xc0: {  	s0 =	sadd.s32 $0x8F2B, s0  }
0xc1: {  	[sflag:s0] =	ssyncadd.remote.s32 $0x1  }
0xc2: {  	_ =	sfence.sel $0xFFFF  }
0xc3: {  	[dreg:$0x0] =	wrdreg $0xFFFFFFFF;
	(pc) =	sbr.abs _section_cstart, $3  }
0xc4: {  	[dreg:$0x1] =	wrdreg $0xFFFFFFFF  }
0xc5: {  	_ =	task.clear_ibuf [dreg:s9], $0x2FFFF;
	_ =	strace $0x9FFFFFFF  }
0xc6: {  	(tm) =	ssettm $0x7FFFFFFF  }
0xc7: {  	_ =	shalt  }
tec
execute0_lowered:
.L_overlay_start_1:
0x0: {  	(tag) =	ssettag $0x1  }
0x1: {  	s0 =	rddreg [dreg:$0x0]  }
0x2: {  	s1 =	rddreg [dreg:$0x1]  }
0x3: {  	s7 =	rddreg [dreg:$0x2]  }
0x4: {  	s5 =	rddreg [dreg:$0x3]  }
0x5: {  	s2 =	simm.s32 $0x0;
	s3 =	srdreg.scid;
	s4 =	stileid.u32  }
0x6: {  	s11 =	simm.s32 $0x200;
	s12 =	simm.s32 $0x400;
	s13 =	simm.s32 $0x80  }
0x7: {  	s20 =	simm.s32 $0x480;
	s21 =	simm.s32 $0x9600;
	s22 =	simm.s32 $0x100  }
0x8: {  	s23 =	simm.s32 $0x2600;
	s24 =	simm.s32 $0x300;
	s25 =	simm.s32 $0x6600  }
0x9: {  	s28 =	simm.s32 $0xA600;
	s29 =	simm.s32 $0x180;
	s30 =	simm.s32 $0x3600  }
0xa: {  	s31 =	simm.s32 $0x380;
	s14 =	simm.s32 $0xB600;
	s15 =	simm.s32 $0x1  }
0xb: {  	s16 =	simm.s32 $0xC600;
	s17 =	simm.s32 $0x0;
	[smem:$0x7FF] =	sst s2  }
0xc: {  	s6 =	sand.u32 $0x1, s3;
	s4 =	sshll.u32 s4, $0x1;
	s3 =	sadd.s32 $0xF42800, s5  }
0xd: {  	_ =	strace $0x80000047;
	s8 =	sor.u32 s6, s4;
	s6 =	ssub.s32 $0x2, s6  }
0xe: {  	vm0 =	vmmov $0x1;
	vm1 =	vmmov $0x3;
	vm2 =	vmmov $0x7;
	s4 =	sadd.s32 $0x1313200, s5;
	s9 =	sshll.u32 s8, $0x1;
	s26 =	sshrl.u32 s6, $0x1  }
0xf: {  	vm3 =	vmmov $0xf;
	vm4 =	vmmov $0x1f;
	vm5 =	vmmov $0x3f;
	s8 =	sshll.u32 s8, $0x6;
	s9 =	sadd.s32 s9, s5;
	s10 =	ssub.s32 s6, s26  }
0x10: {  	vm6 =	vmmov $0x7f;
	vm7 =	vmmov $0xff;
	vm8 =	vmmov $0x1ff;
	s5 =	sadd.s32 s0, s8;
	s6 =	sadd.s32 s1, s8;
	s7 =	sadd.s32 s7, s8  }
0x11: {  	vm9 =	vmmov $0x3ff;
	vm10 =	vmmov $0x7ff;
	vm11 =	vmmov $0xfff;
	s26 =	simm.s32 $0x500;
	s0 =	simm.s32 $0x7600;
	s1 =	simm.s32 $0x580  }
0x12: {  	vm12 =	vmmov $0x1fff;
	vm13 =	vmmov $0x3fff;
	vm14 =	vmmov $0x7fff;
	s8 =	sadd.s32 $0x400, s9;
	s9 =	smax.u32 s10, $0x1;
	s10 =	simm.s32 $0x2  }
.LBB2_1:
0x13: {  	[tilespmem:s2], [sflag:$0x2] =	stream.linear.gather [hbm4b:s5+s2], $0x200, $0x38;
	[tilespmem:$0xC610] =	vst v63  }
0x14: {  	_ =	swait.ge [sflag:s10], $0x200  }
0x15: {  	[sflag:s10] =	ssyncset.done $0x0  }
0x16: {  	[sflag:s10] =	ssyncadd.s32 $0xFFFFFE00  }
0x17: {  	[tilespmem:s11], [sflag:$0x2] =	stream.linear.gather [hbm4b:s6+s2], $0x200, $0x38;
	[tilespmem:$0xC610] =	vst v63  }
0x18: {  	_ =	swait.ge [sflag:s10], $0x200  }
0x19: {  	[sflag:s10] =	ssyncset.done $0x0  }
0x1a: {  	[sflag:s10] =	ssyncadd.s32 $0xFFFFFE00  }
0x1b: {  	[tilespmem:s12], [sflag:$0x2] =	stream.linear.gather [hbm4b:s7+s2], $0x200, $0x38;
	[tilespmem:$0xC610] =	vst v63  }
0x1c: {  	_ =	swait.ge [sflag:s10], $0x200  }
0x1d: {  	[sflag:s10] =	ssyncset.done $0x0  }
0x1e: {  	s18 =	simm.s32 $0x600;
	[sflag:s10] =	ssyncadd.s32 $0xFFFFFE00  }
0x1f: {  	[tilespmem:s18], [sflag:$0x1] =	stream.indirect.gather [hbm4b:s3+s13], $0x20, s2, s13, $0xb8;
	[tilespmem:$0xC610] =	vst v63  }
0x20: {  	s19 =	simm.s32 $0x4600  }
0x21: {  	[tilespmem:s19], [sflag:$0x1] =	stream.indirect.gather [hbm4b:s4+s13], $0x20, s11, s13, $0xb8;
	[tilespmem:$0xC610] =	vst v63  }
0x22: {  	s19 =	simm.s32 $0x8600  }
0x23: {  	[tilespmem:s19], [sflag:$0x1] =	stream.indirect.gather [hbm4b:s4+s13], $0x20, s12, s13, $0xb8;
	[tilespmem:$0xC610] =	vst v63  }
0x24: {  	s19 =	simm.s32 $0x1600  }
0x25: {  	[tilespmem:s19], [sflag:$0x1] =	stream.indirect.gather [hbm4b:s3+s13], $0x20, s13, s13, $0xb8;
	[tilespmem:$0xC610] =	vst v63  }
0x26: {  	s18 =	simm.s32 $0x280;
	s19 =	simm.s32 $0x5600  }
0x27: {  	[tilespmem:s19], [sflag:$0x1] =	stream.indirect.gather [hbm4b:s4+s13], $0x20, s18, s13, $0xb8;
	[tilespmem:$0xC610] =	vst v63  }
0x28: {  	_ = 	snop  }
0x29: {  	[tilespmem:s21], [sflag:$0x1] =	stream.indirect.gather [hbm4b:s4+s13], $0x20, s20, s13, $0xb8;
	[tilespmem:$0xC610] =	vst v63  }
0x2a: {  	_ = 	snop  }
0x2b: {  	[tilespmem:s23], [sflag:$0x1] =	stream.indirect.gather [hbm4b:s3+s13], $0x20, s22, s13, $0xb8;
	[tilespmem:$0xC610] =	vst v63  }
0x2c: {  	_ = 	snop  }
0x2d: {  	[tilespmem:s25], [sflag:$0x1] =	stream.indirect.gather [hbm4b:s4+s13], $0x20, s24, s13, $0xb8;
	[tilespmem:$0xC610] =	vst v63  }
0x2e: {  	_ = 	snop  }
0x2f: {  	[tilespmem:s28], [sflag:$0x1] =	stream.indirect.gather [hbm4b:s4+s13], $0x20, s26, s13, $0xb8;
	[tilespmem:$0xC610] =	vst v63  }
0x30: {  	_ = 	snop  }
0x31: {  	[tilespmem:s30], [sflag:$0x1] =	stream.indirect.gather [hbm4b:s3+s13], $0x20, s29, s13, $0xb8;
	[tilespmem:$0xC610] =	vst v63  }
0x32: {  	_ = 	snop  }
0x33: {  	[tilespmem:s0], [sflag:$0x1] =	stream.indirect.gather [hbm4b:s4+s13], $0x20, s31, s13, $0xb8;
	[tilespmem:$0xC610] =	vst v63  }
0x34: {  	_ = 	snop  }
0x35: {  	[tilespmem:s14], [sflag:$0x1] =	stream.indirect.gather [hbm4b:s4+s13], $0x20, s1, s13, $0xb8;
	[tilespmem:$0xC610] =	vst v63  }
0x36: {  	_ =	swait.ge [sflag:s15], $0x1000  }
0x37: {  	[sflag:s15] =	ssyncset.done $0x0  }
0x38: {  	[sflag:s15] =	ssyncadd.s32 $0xFFFFF000  }
0x39: {  	_ =	swait.ge [sflag:s15], $0x1000  }
0x3a: {  	[sflag:s15] =	ssyncset.done $0x0  }
0x3b: {  	[sflag:s15] =	ssyncadd.s32 $0xFFFFF000  }
0x3c: {  	_ =	swait.ge [sflag:s15], $0x1000  }
0x3d: {  	[sflag:s15] =	ssyncset.done $0x0  }
0x3e: {  	[sflag:s15] =	ssyncadd.s32 $0xFFFFF000  }
0x3f: {  	_ =	swait.ge [sflag:s15], $0x1000  }
0x40: {  	[sflag:s15] =	ssyncset.done $0x0  }
0x41: {  	[sflag:s15] =	ssyncadd.s32 $0xFFFFF000  }
0x42: {  	_ =	swait.ge [sflag:s15], $0x1000  }
0x43: {  	[sflag:s15] =	ssyncset.done $0x0  }
0x44: {  	[sflag:s15] =	ssyncadd.s32 $0xFFFFF000  }
0x45: {  	_ =	swait.ge [sflag:s15], $0x1000  }
0x46: {  	[sflag:s15] =	ssyncset.done $0x0  }
0x47: {  	[sflag:s15] =	ssyncadd.s32 $0xFFFFF000  }
0x48: {  	_ =	swait.ge [sflag:s15], $0x1000  }
0x49: {  	[sflag:s15] =	ssyncset.done $0x0  }
0x4a: {  	[sflag:s15] =	ssyncadd.s32 $0xFFFFF000  }
0x4b: {  	_ =	swait.ge [sflag:s15], $0x1000  }
0x4c: {  	[sflag:s15] =	ssyncset.done $0x0  }
0x4d: {  	[sflag:s15] =	ssyncadd.s32 $0xFFFFF000  }
0x4e: {  	_ =	swait.ge [sflag:s15], $0x1000  }
0x4f: {  	[sflag:s15] =	ssyncset.done $0x0  }
0x50: {  	[sflag:s15] =	ssyncadd.s32 $0xFFFFF000  }
0x51: {  	_ =	swait.ge [sflag:s15], $0x1000  }
0x52: {  	[sflag:s15] =	ssyncset.done $0x0  }
0x53: {  	[sflag:s15] =	ssyncadd.s32 $0xFFFFF000  }
0x54: {  	_ =	swait.ge [sflag:s15], $0x1000  }
0x55: {  	[sflag:s15] =	ssyncset.done $0x0  }
0x56: {  	[sflag:s15] =	ssyncadd.s32 $0xFFFFF000  }
0x57: {  	_ =	swait.ge [sflag:s15], $0x1000  }
0x58: {  	[sflag:s15] =	ssyncset.done $0x0  }
0x59: {  	s18 =	simm.s32 $0x0;
	[sflag:s15] =	ssyncadd.s32 $0xFFFFF000  }
0x5a: {  	v0 =	vld [tilespmem:s18+$0x7E0]  }
0x5b: {  	v1 =	vld [tilespmem:s18+$0x7F0]  }
0x5c: {  	v3 =	vld [tilespmem:s18+$0x47E0]  }
0x5d: {  	v5 =	vld [tilespmem:s18+$0x47F0]  }
0x5e: {  	v8 =	vld [tilespmem:s18+$0x7C0]  }
0x5f: {  	v11 =	vld [tilespmem:s18+$0x7D0]  }
0x60: {  	v12 =	vld [tilespmem:s18+$0x47C0]  }
0x61: {  	v15 =	vld [tilespmem:s18+$0x47D0]  }
0x62: {  	v16 =	vld [tilespmem:s18+$0x87C0]  }
0x63: {  	v17 =	vld [tilespmem:s18+$0x87D0]  }
0x64: {  	v6 =	vld [tilespmem:s18+$0x7A0]  }
0x65: {  	v7 =	vld [tilespmem:s18+$0x7B0]  }
0x66: {  	v18 =	vld [tilespmem:s18+$0x47A0]  }
0x67: {  	v19 =	vld [tilespmem:s18+$0x47B0]  }
0x68: {  	v20 =	vld [tilespmem:s18+$0x780]  }
0x69: {  	v21 =	vld [tilespmem:s18+$0x790]  }
0x6a: {  	v22 =	vld [tilespmem:s18+$0x4780]  }
0x6b: {  	v23 =	vld [tilespmem:s18+$0x4790]  }
0x6c: {  	v24 =	vld [tilespmem:s18+$0x8780]  }
0x6d: {  	v25 =	vld [tilespmem:s18+$0x8790]  }
0x6e: {  	v26 =	vld [tilespmem:s18+$0x760]  }
0x6f: {  	v27 =	vld [tilespmem:s18+$0x770]  }
0x70: {  	v28 =	vld [tilespmem:s18+$0x4760]  }
0x71: {  	v29 =	vld [tilespmem:s18+$0x4770]  }
0x72: {  	v30 =	vld [tilespmem:s18+$0x8760]  }
0x73: {  	v31 =	vld [tilespmem:s18+$0x8770]  }
0x74: {  	v9 =	vld [tilespmem:s18+$0x740]  }
0x75: {  	v10 =	vld [tilespmem:s18+$0x750]  }
0x76: {  	v32 =	vld [tilespmem:s18+$0x4740]  }
0x77: {  	v33 =	vld [tilespmem:s18+$0x4750]  }
0x78: {  	v34 =	vld [tilespmem:s18+$0x720]  }
0x79: {  	v35 =	vld [tilespmem:s18+$0x730]  }
0x7a: {  	v36 =	vld [tilespmem:s18+$0x4720]  }
0x7b: {  	v37 =	vld [tilespmem:s18+$0x4730]  }
0x7c: {  	v38 =	vld [tilespmem:s18+$0x8720]  }
0x7d: {  	v39 =	vld [tilespmem:s18+$0x8730]  }
0x7e: {  	v40 =	vld [tilespmem:s18+$0x700]  }
0x7f: {  	v41 =	vld [tilespmem:s18+$0x710]  }
0x80: {  	v42 =	vld [tilespmem:s18+$0x4700]  }
0x81: {  	v43 =	vld [tilespmem:s18+$0x4710]  }
0x82: {  	v44 =	vld [tilespmem:s18+$0x8700]  }
0x83: {  	v45 =	vld [tilespmem:s18+$0x8710]  }
0x84: {  	v13 =	vld [tilespmem:s18+$0x6E0]  }
0x85: {  	v14 =	vld [tilespmem:s18+$0x6F0]  }
0x86: {  	v46 =	vld [tilespmem:s18+$0x46E0]  }
0x87: {  	v47 =	vld [tilespmem:s18+$0x46F0]  }
0x88: {  	v48 =	vld [tilespmem:s18+$0x6C0]  }
0x89: {  	v49 =	vld [tilespmem:s18+$0x6D0]  }
0x8a: {  	v50 =	vld [tilespmem:s18+$0x46C0]  }
0x8b: {  	v51 =	vld [tilespmem:s18+$0x46D0]  }
0x8c: {  	v52 =	vld [tilespmem:s18+$0x86C0]  }
0x8d: {  	v53 =	vld [tilespmem:s18+$0x86D0];
	v3 =	vmul.f32 v3, v0;
	v5 =	vmul.f32 v5, v1  }
0x8e: {  	v54 =	vld [tilespmem:s18+$0x6A0];
	v12 =	vmul.f32 v12, v8;
	v15 =	vmul.f32 v15, v11  }
0x8f: {  	v55 =	vld [tilespmem:s18+$0x6B0];
	v3 =	vadd.f32 v5, v3;
	v5 =	vmul.f32 v16, v8;
	v8 =	vmul.f32 v17, v11  }
0x90: {  	v11 =	vld [tilespmem:s18+$0x46A0];
	v12 =	vadd.f32 v15, v12;
	v15 =	vmul.f32 v18, v6;
	v16 =	vmul.f32 v19, v7  }
0x91: {  	v17 =	vld [tilespmem:s18+$0x46B0];
	(xrf2) =	vadd.scan.msk.f32 $0xffff, v3;
	v3 =	vadd.f32 v8, v5;
	v5 =	vmul.f32 v22, v20;
	v8 =	vmul.f32 v23, v21  }
0x92: {  	v18 =	vld [tilespmem:s18+$0x86A0];
	(xrf2) =	vadd.scan.msk.f32 $0xffff, v12;
	v12 =	vadd.f32 v16, v15;
	v15 =	vmul.f32 v24, v20;
	v16 =	vmul.f32 v25, v21  }
0x93: {  	v19 =	vld [tilespmem:s18+$0x86B0];
	(xrf2) =	vadd.scan.msk.f32 $0xffff, v3;
	v3 =	vadd.f32 v8, v5;
	v5 =	vmul.f32 v28, v26;
	v8 =	vmul.f32 v29, v27  }
0x94: {  	v22 =	vld [tilespmem:s18+$0x4690];
	(xrf2) =	vadd.scan.msk.f32 $0xffff, v12;
	v12 =	vadd.f32 v16, v15;
	v15 =	vmul.f32 v30, v26;
	v16 =	vmul.f32 v31, v27  }
0x95: {  	v21 =	vld [tilespmem:s18+$0x680];
	(xrf2) =	vadd.scan.msk.f32 $0xffff, v3;
	v3 =	vadd.f32 v8, v5;
	v5 =	vmul.f32 v32, v9;
	v8 =	vmul.f32 v33, v10  }
0x96: {  	v24 =	vld [tilespmem:s18+$0x690];
	(xrf2) =	vadd.scan.msk.f32 $0xffff, v12;
	v12 =	vadd.f32 v16, v15;
	v15 =	vmul.f32 v36, v34;
	v16 =	vmul.f32 v37, v35  }
0x97: {  	v20 =	vld [tilespmem:s18+$0x4680];
	(xrf2) =	vadd.scan.msk.f32 $0xffff, v3;
	v3 =	vadd.f32 v8, v5;
	v5 =	vmul.f32 v38, v34;
	v8 =	vmul.f32 v39, v35  }
0x98: {  	v25 =	vld [tilespmem:s18+$0x660];
	(xrf2) =	vadd.scan.msk.f32 $0xffff, v12;
	v12 =	vadd.f32 v16, v15;
	v15 =	vmul.f32 v42, v40;
	v16 =	vmul.f32 v43, v41  }
0x99: {  	v23 =	vmul.f32 v45, v41;
	v28 =	vld [tilespmem:s18+$0x670];
	(xrf2) =	vadd.scan.msk.f32 $0xffff, v3;
	v3 =	vadd.f32 v8, v5;
	v8 =	vmul.f32 v44, v40  }
0x9a: {  	v29 =	vld [tilespmem:s18+$0x4670];
	v27 =	vmul.f32 v47, v14;
	(xrf2) =	vadd.scan.msk.f32 $0xffff, v12;
	v12 =	vadd.f32 v16, v15;
	v16 =	vmul.f32 v46, v13  }
0x9b: {  	v26 =	vld [tilespmem:s18+$0x4660];
	v30 =	vmul.f32 v51, v49;
	v5, _, _ =	vpop (xrf2);
	(xrf2) =	vadd.scan.msk.f32 $0xffff, v3;
	v3 =	vadd.f32 v23, v8;
	v23 =	vmul.f32 v50, v48  }
0x9c: {  	v49 =	vmul.f32 v53, v49;
	v15, _, _ =	vpop (xrf2);
	(xrf2) =	vadd.scan.msk.f32 $0xffff, v12;
	v12 =	vadd.f32 v27, v16;
	v27 =	vmul.f32 v52, v48  }
0x9d: {  	v11 =	vmul.f32 v11, v54;
	v17 =	vmul.f32 v17, v55;
	v8, _, _ =	vpop (xrf2);
	(xrf2) =	vadd.scan.msk.f32 $0xffff, v3;
	v3 =	vadd.f32 v30, v23  }
0x9e: {  	v19 =	vmul.f32 v19, v55;
	v23 =	vmul.f32 v18, v54;
	v16, _, _ =	vpop (xrf2);
	(xrf2) =	vadd.scan.msk.f32 $0xffff, v12;
	v12 =	vadd.f32 v49, v27  }
0x9f: {  	v2 =	vld [tilespmem:s18+$0x87E0];
	v18, _, _ =	vpop (xrf2);
	(xrf2) =	vadd.scan.msk.f32 $0xffff, v3;
	v3 =	vadd.f32 v17, v11;
	v17 =	vmul.f32 v20, v21;
	v20 =	vmul.f32 v22, v24  }
0xa0: {  	v4 =	vld [tilespmem:s18+$0x87F0];
	v22 =	vadd.f32 v19, v23;
	v23 =	vmul.f32 v26, v25;
	v26 =	vmul.f32 v29, v28  }
0xa1: {  	v31 =	vld [tilespmem:s18+$0x8660];
	v11, _, _ =	vpop (xrf2);
	(xrf2) =	vadd.scan.msk.f32 $0xffff, v12  }
0xa2: {  	v51 =	vld [tilespmem:s18+$0x650];
	v19, _, _ =	vpop (xrf2);
	(xrf2) =	vadd.scan.msk.f32 $0xffff, v3;
	v3 =	vadd.f32 v20, v17;
	v17 =	vadd.f32 v26, v23  }
0xa3: {  	v50 =	vld [tilespmem:s18+$0x8670];
	v12, _, _ =	vpop (xrf2)  }
0xa4: {  	v53 =	vld [tilespmem:s18+$0x4650];
	(xrf2) =	vadd.scan.msk.f32 $0xffff, v22;
	v22, _, _ =	vpop (xrf2)  }
0xa5: {  	v52 =	vld [tilespmem:s18+$0x4640];
	(xrf2) =	vadd.scan.msk.f32 $0xffff, v3;
	v23, _, _ =	vpop (xrf2)  }
0xa6: {  	v30 =	vld [tilespmem:s18+$0x640];
	(xrf2) =	vadd.scan.msk.f32 $0xffff, v17;
	v17, _, _ =	vpop (xrf2)  }
0xa7: {  	v54 =	vld [tilespmem:s18+$0x8640];
	v26, _, _ =	vpop (xrf2)  }
0xa8: {  	v56 =	vld [tilespmem:s18+$0x600];
	v31 =	vmul.f32 v31, v25;
	v28 =	vmul.f32 v50, v28;
	v20, _, _ =	vpop (xrf2)  }
0xa9: {  	v55 =	vld [tilespmem:s18+$0x8650];
	v27, _, _ =	vpop (xrf2)  }
0xaa: {  	v57 =	vld [tilespmem:s18+$0x610];
	v28 =	vadd.f32 v28, v31;
	v29, _, _ =	vpop (xrf2)  }
0xab: {  	v58 =	vld [tilespmem:s18+$0x4610];
	v62 =	vmul.f32 v53, v51;
	v61 =	vmul.f32 v52, v30;
	v25, _, _ =	vpop (xrf2)  }
0xac: {  	v31 =	vmul.f32 v54, v30;
	v3 =	vld [tilespmem:s18+$0x4600];
	v30, _, _ =	vpop (xrf2);
	(xrf2) =	vadd.scan.msk.f32 $0xffff, v28  }
0xad: {  	v59 =	vld [tilespmem:s18+$0x8600];
	v33 =	vadd.f32 v62, v61  }
0xae: {  	v60 =	vld [tilespmem:s18+$0x8610];
	v32 =	vmul.f32 v55, v51  }
0xaf: {  	v36 =	vld [tilespmem:s18+$0x4620];
	v28, _, _ =	vpop (xrf2);
	(xrf2) =	vadd.scan.msk.f32 $0xffff, v33  }
0xb0: {  	v37 =	vld [tilespmem:s18+$0x4630];
	v32 =	vadd.f32 v32, v31  }
0xb1: {  	v34 =	vld [tilespmem:s18+$0x620];
	v39 =	vmul.f32 v58, v57;
	v63 =	vmul.f32 v3, v56  }
0xb2: {  	v35 =	vld [tilespmem:s18+$0x630];
	(xrf2) =	vadd.scan.msk.f32 $0xffff, v32  }
0xb3: {  	v38 =	vld [tilespmem:s18+$0x8620];
	v40 =	vadd.f32 v39, v63;
	v31, _, _ =	vpop (xrf2)  }
0xb4: {  	s19 =	simm.s32 $0x800;
	v41 =	vmul.f32 v60, v57;
	v3 =	vimm.f32 $0.0e+00;
	v39 =	vmul.f32 v59, v56;
	v33 =	vld [tilespmem:s18+$0x87A0];
	v32, _, _ =	vpop (xrf2)  }
.LBB2_2:
0xb5: {  	p0 =	sne.s32 s19, $0xF800;
	v42 =	vld [tilespmem:s18+$0x8630];
	(xrf2) =	vadd.scan.msk.f32 $0xffff, v40  }
0xb6: {  	v45 =	vadd.f32 v41, v39;
	v40 =	vld [tilespmem:s18+$0x87B0];
	v41, _, _ =	vpop (xrf2)  }
0xb7: {  	v36 =	vmul.f32 v36, v34;
	v37 =	vmul.f32 v37, v35;
	v43 =	vld [tilespmem:s18+$0x8680]  }
0xb8: {  	v44 =	vld [tilespmem:s18+$0x8690];
	(xrf2) =	vadd.scan.msk.f32 $0xffff, v45  }
0xb9: {  	v45 =	vadd.f32 v37, v36;
	v37 =	vld [tilespmem:s18+$0x8740];
	v39, _, _ =	vpop (xrf2)  }
0xba: {  	v34 =	vmul.f32 v38, v34;
	v35 =	vmul.f32 v42, v35;
	v38 =	vld [tilespmem:s18+$0x86E0]  }
0xbb: {  	v42 =	vld [tilespmem:s18+$0x86F0];
	(xrf2) =	vadd.scan.msk.f32 $0xffff, v45  }
0xbc: {  	v34 =	vadd.f32 v35, v34;
	v35 =	vld [tilespmem:s18+$0x8750];
	v36, _, _ =	vpop (xrf2)  }
0xbd: {  	v21 =	vmul.f32 v43, v21;
	v24 =	vmul.f32 v44, v24  }
0xbe: {  	v2 =	vmul.f32 v2, v0;
	v4 =	vmul.f32 v4, v1;
	(xrf2) =	vadd.scan.msk.f32 $0xffff, v34  }
0xbf: {  	v1 =	vmul.f32 v33, v6;
	v6 =	vmul.f32 v40, v7;
	v0 =	vadd.f32 v24, v21;
	v7, _, _ =	vpop (xrf2)  }
0xc0: {  	v13 =	vmul.f32 v38, v13;
	v21 =	vmul.f32 v42, v14  }
0xc1: {  	v9 =	vmul.f32 v37, v9;
	v10 =	vmul.f32 v35, v10;
	(xrf2) =	vadd.scan.msk.f32 $0xffff, v0  }
0xc2: {  	v7 =	vbroadcast v7, $0xF;
	v0 =	vadd.f32 v21, v13;
	v13 =	vbroadcast v15, $0xF;
	v14, _, _ =	vpop (xrf2)  }
0xc3: {  	v16 =	vbroadcast v16, $0xF;
	v15 =	vbroadcast v18, $0xF  }
0xc4: {  	v19 =	vbroadcast v19, $0xF;
	v18 =	vbroadcast v22, $0xF;
	(xrf2) =	vadd.scan.msk.f32 $0xffff, v0  }
0xc5: {  	v21 =	vbroadcast v26, $0xF;
	v22 =	vbroadcast v23, $0xF;
	v0 =	vadd.f32 v10, v9;
	v9, _, _ =	vpop (xrf2)  }
0xc6: {  	v23 =	vbroadcast v27, $0xF;
	v10 =	vbroadcast v29, $0xF  }
0xc7: {  	v24 =	vbroadcast v31, $0xF;
	v26 =	vbroadcast v30, $0xF;
	(xrf2) =	vadd.scan.msk.f32 $0xffff, v0  }
0xc8: {  	s18 =	sshra.s32 s19, $0x2;
	v6 =	vadd.f32 v6, v1;
	v27 =	vbroadcast v32, $0xF;
	v14 =	vbroadcast v14, $0xF;
	v1, _, _ =	vpop (xrf2)  }
0xc9: {  	v9 =	vbroadcast v9, $0xF;
	v0 =	vld [tilespmem:s18+$0x7E0];
	v29 =	vbroadcast v1, $0xF  }
0xca: {  	v31 =	vbroadcast v36, $0xF;
	v30 =	vbroadcast v39, $0xF;
	v32 =	vadd.f32 v4, v2;
	v1 =	vld [tilespmem:s18+$0x7F0];
	(xrf2) =	vadd.scan.msk.f32 $0xffff, v6  }
0xcb: {  	v2 =	vsel vm0, v7, v9;
	v6 =	vbroadcast v41, $0xF;
	v33 =	vld [tilespmem:s18+$0x47E0];
	v4 =	vsel vm0, v14, v29;
	v7, _, _ =	vpop (xrf2)  }
0xcc: {  	v14 =	vsel vm1, v2, v30;
	v9 =	vld [tilespmem:s18+$0x47F0];
	v4 =	vsel vm1, v4, v31;
	v7 =	vbroadcast v7, $0xF  }
0xcd: {  	v14 =	vsel vm2, v14, v27;
	v27 =	vbroadcast v28, $0xF;
	v2 =	vld [tilespmem:s18+$0x87E0];
	v6 =	vsel vm2, v4, v6  }
0xce: {  	v14 =	vsel vm3, v14, v24;
	v4 =	vld [tilespmem:s18+$0x87F0];
	v6 =	vsel vm3, v6, v7;
	v7 =	vbroadcast v25, $0xF;
	v24, _, _ =	vpop (xrf2);
	(xrf2) =	vadd.scan.msk.f32 $0xffff, v32  }
0xcf: {  	v14 =	vsel vm4, v14, v26;
	v28 =	vld [tilespmem:s18+$0x7C0];
	v6 =	vsel vm4, v6, v27;
	v24 =	vbroadcast v24, $0xF  }
0xd0: {  	v10 =	vsel vm5, v14, v10;
	v26 =	vld [tilespmem:s18+$0x7D0];
	v6 =	vsel vm5, v6, v7;
	v7 =	vbroadcast v20, $0xF  }
0xd1: {  	v17 =	vbroadcast v17, $0xF;
	v10 =	vsel vm6, v10, v23;
	v14 =	vld [tilespmem:s18+$0x47C0];
	v6 =	vsel vm6, v6, v24;
	v20, _, _ =	vpop (xrf2)  }
0xd2: {  	v10 =	vsel vm7, v10, v21;
	v23 =	vld [tilespmem:s18+$0x47D0];
	v6 =	vsel vm7, v6, v7;
	v7 =	vbroadcast v20, $0xF  }
0xd3: {  	v12 =	vbroadcast v12, $0xF;
	v10 =	vsel vm8, v10, v22;
	v20 =	vld [tilespmem:s18+$0x87C0];
	v6 =	vsel vm8, v6, v17  }
0xd4: {  	v11 =	vbroadcast v11, $0xF;
	v10 =	vsel vm9, v10, v18;
	v17 =	vld [tilespmem:s18+$0x87D0];
	v7 =	vsel vm9, v6, v7;
	v18, _, _ =	vpop (xrf2)  }
0xd5: {  	v10 =	vsel vm10, v10, v19;
	v6 =	vld [tilespmem:s18+$0x7A0];
	v12 =	vsel vm10, v7, v12;
	v18 =	vbroadcast v18, $0xF  }
0xd6: {  	v8 =	vbroadcast v8, $0xF;
	v10 =	vsel vm11, v10, v15;
	v7 =	vld [tilespmem:s18+$0x7B0];
	v19 =	vsel vm11, v12, v11  }
0xd7: {  	v15 =	vmul.f32 v33, v0;
	v10 =	vsel vm12, v10, v16;
	v12 =	vld [tilespmem:s18+$0x47A0];
	v18 =	vsel vm12, v19, v18  }
0xd8: {  	v9 =	vmul.f32 v9, v1;
	v10 =	vsel vm13, v10, v13;
	v16 =	vld [tilespmem:s18+$0x47B0];
	v8 =	vsel vm13, v18, v8;
	v11, _, _ =	vpop (xrf2)  }
0xd9: {  	v27 =	vsel vm14, v10, v5;
	v13 =	vld [tilespmem:s18+$0x780];
	v5 =	vsel vm14, v8, v11  }
0xda: {  	v9 =	vadd.f32 v9, v15;
	v10 =	vand.u32 $0x7FFFFFFF, v27;
	v8 =	vld [tilespmem:s18+$0x790];
	v25 =	vsub.f32 $0.0e+00, v5  }
0xdb: {  	v11 =	vmul.f32 v14, v28;
	v14 =	vmul.f32 v23, v26;
	v10 =	vsub.f32 $0.0e+00, v10;
	v5 =	vld [tilespmem:s18+$0x4780]  }
0xdc: {  	v15 =	vld [tilespmem:s18+$0x4790];
	(xrf2) =	vadd.scan.msk.f32 $0xffff, v9;
	v9 =	vand.u32 $0x7FFFFFFF, v25  }
0xdd: {  	v11 =	vadd.f32 v14, v11;
	v10 =	vmul.f32 $1.442695020e+00, v10;
	v18 =	vld [tilespmem:s18+$0x8780];
	v9 =	vsub.f32 $0.0e+00, v9  }
0xde: {  	v19 =	vmul.f32 v20, v28;
	v17 =	vmul.f32 v17, v26;
	v14 =	vld [tilespmem:s18+$0x8790]  }
0xdf: {  	v20 =	vld [tilespmem:s18+$0x760];
	(xrf2) =	vadd.scan.msk.f32 $0xffff, v11;
	v9 =	vmul.f32 $1.442695020e+00, v9;
	(erf) = vpow2.f32 v10  }
0xe0: {  	v10 =	vmul.f32 v12, v6;
	v12 =	vadd.f32 v17, v19;
	v11 =	vld [tilespmem:s18+$0x770]  }
0xe1: {  	v16 =	vmul.f32 v16, v7;
	v17 =	vld [tilespmem:s18+$0x4760];
	(erf) = vpow2.f32 v9  }
0xe2: {  	v19 =	vld [tilespmem:s18+$0x4770];
	(xrf2) =	vadd.scan.msk.f32 $0xffff, v12  }
0xe3: {  	v10 =	vadd.f32 v16, v10;
	v12 =	vld [tilespmem:s18+$0x8760]  }
0xe4: {  	v21 =	vmul.f32 v5, v13;
	v15 =	vmul.f32 v15, v8;
	v16 =	vld [tilespmem:s18+$0x8770]  }
0xe5: {  	v9 =	vld [tilespmem:s18+$0x740];
	(xrf2) =	vadd.scan.msk.f32 $0xffff, v10  }
0xe6: {  	v24 =	vadd.f32 v15, v21;
	v10 =	vld [tilespmem:s18+$0x750];
	v5, _, _ =	vpop (xrf2)  }
0xe7: {  	v13 =	vmul.f32 v18, v13;
	v8 =	vmul.f32 v14, v8;
	v21 =	vld [tilespmem:s18+$0x4740]  }
0xe8: {  	v14 =	vld [tilespmem:s18+$0x4750];
	(xrf2) =	vadd.scan.msk.f32 $0xffff, v24;
	v22 =	vpop (erf)  }
0xe9: {  	v29 =	vadd.f32 v8, v13;
	v23 =	vld [tilespmem:s18+$0x720];
	v15, _, _ =	vpop (xrf2);
	v13 =	vadd.f32 $2.000000000e+00, v22  }
0xea: {  	v17 =	vmul.f32 v17, v20;
	v18 =	vmul.f32 v19, v11;
	v24 =	vld [tilespmem:s18+$0x730];
	v19 =	vpop (erf)  }
0xeb: {  	v26 =	vld [tilespmem:s18+$0x4720];
	(xrf2) =	vadd.scan.msk.f32 $0xffff, v29;
	v28 =	vadd.f32 $2.000000000e+00, v19;
	(erf) = vrcp.f32 v13  }
0xec: {  	v12 =	vmul.f32 v12, v20;
	v17 =	vadd.f32 v18, v17;
	v13 =	vld [tilespmem:s18+$0x4730];
	v8, _, _ =	vpop (xrf2)  }
0xed: {  	v11 =	vmul.f32 v16, v11;
	v20 =	vld [tilespmem:s18+$0x8720];
	(erf) = vrcp.f32 v28  }
0xee: {  	v28 =	vld [tilespmem:s18+$0x8730];
	(xrf2) =	vadd.scan.msk.f32 $0xffff, v17  }
0xef: {  	v11 =	vadd.f32 v11, v12;
	v17 =	vld [tilespmem:s18+$0x700];
	v16, _, _ =	vpop (xrf2)  }
0xf0: {  	v12 =	vmul.f32 v21, v9;
	v14 =	vmul.f32 v14, v10;
	v29 =	vld [tilespmem:s18+$0x710]  }
0xf1: {  	v21 =	vld [tilespmem:s18+$0x4700];
	(xrf2) =	vadd.scan.msk.f32 $0xffff, v11  }
0xf2: {  	v33 =	vadd.f32 v14, v12;
	v30 =	vld [tilespmem:s18+$0x4710];
	v18, _, _ =	vpop (xrf2)  }
0xf3: {  	v12 =	vmul.f32 v26, v23;
	v14 =	vmul.f32 v13, v24;
	v31 =	vld [tilespmem:s18+$0x8700]  }
0xf4: {  	v26 =	vld [tilespmem:s18+$0x8710];
	(xrf2) =	vadd.scan.msk.f32 $0xffff, v33;
	v32 =	vpop (erf)  }
0xf5: {  	v12 =	vadd.f32 v14, v12;
	v13 =	vld [tilespmem:s18+$0x6E0];
	v11, _, _ =	vpop (xrf2);
	v32 =	vmul.f32 v32, v22  }
0xf6: {  	v20 =	vmul.f32 v20, v23;
	v22 =	vmul.f32 v28, v24;
	v14 =	vld [tilespmem:s18+$0x6F0];
	v23 =	vpop (erf)  }
0xf7: {  	v24 =	vld [tilespmem:s18+$0x46E0];
	(xrf2) =	vadd.scan.msk.f32 $0xffff, v12;
	v28 =	vmul.f32 v32, v32;
	v33 =	vmul.f32 v23, v19  }
0xf8: {  	v36 =	vmul.f32 v21, v17;
	v21 =	vmul.f32 v30, v29;
	v20 =	vadd.f32 v22, v20;
	v23 =	vld [tilespmem:s18+$0x46F0];
	v19, _, _ =	vpop (xrf2)  }
0xf9: {  	v30 =	vld [tilespmem:s18+$0x6C0];
	v22 =	vmul.f32 $1.111111120e-01, v28;
	v34 =	vmul.f32 v33, v33  }
0xfa: {  	v35 =	vld [tilespmem:s18+$0x6D0];
	(xrf2) =	vadd.scan.msk.f32 $0xffff, v20  }
0xfb: {  	v21 =	vadd.f32 v21, v36;
	v20 =	vld [tilespmem:s18+$0x46C0];
	v12, _, _ =	vpop (xrf2);
	v38 =	vadd.f32 $1.428571490e-01, v22;
	v36 =	vmul.f32 $1.111111120e-01, v34  }
0xfc: {  	v17 =	vmul.f32 v31, v17;
	v26 =	vmul.f32 v26, v29;
	v37 =	vld [tilespmem:s18+$0x46D0]  }
0xfd: {  	v29 =	vld [tilespmem:s18+$0x86C0];
	(xrf2) =	vadd.scan.msk.f32 $0xffff, v21;
	v21 =	vmul.f32 v38, v28;
	v31 =	vadd.f32 $1.428571490e-01, v36  }
0xfe: {  	v17 =	vadd.f32 v26, v17;
	v24 =	vmul.f32 v24, v13;
	v36 =	vld [tilespmem:s18+$0x86D0];
	v22, _, _ =	vpop (xrf2)  }
0xff: {  	v40 =	vmul.f32 v23, v14;
	v38 =	vld [tilespmem:s18+$0x6A0];
	v21 =	vadd.f32 $2.000000030e-01, v21;
	v26 =	vmul.f32 v31, v34  }
0x100: {  	v31 =	vld [tilespmem:s18+$0x6B0];
	(xrf2) =	vadd.scan.msk.f32 $0xffff, v17  }
0x101: {  	v43 =	vadd.f32 v40, v24;
	v39 =	vld [tilespmem:s18+$0x46A0];
	v23, _, _ =	vpop (xrf2);
	v21 =	vmul.f32 v21, v28;
	v24 =	vadd.f32 $2.000000030e-01, v26  }
0x102: {  	v20 =	vmul.f32 v20, v30;
	v26 =	vmul.f32 v37, v35;
	v40 =	vld [tilespmem:s18+$0x46B0]  }
0x103: {  	v37 =	vld [tilespmem:s18+$0x86A0];
	(xrf2) =	vadd.scan.msk.f32 $0xffff, v43;
	v41 =	vadd.f32 $3.333333430e-01, v21;
	v24 =	vmul.f32 v24, v34  }
0x104: {  	v20 =	vadd.f32 v26, v20;
	v43 =	vmul.f32 v29, v30;
	v29 =	vmul.f32 v36, v35;
	v42 =	vld [tilespmem:s18+$0x86B0];
	v17, _, _ =	vpop (xrf2)  }
0x105: {  	v21 =	vld [tilespmem:s18+$0x680];
	v28 =	vmul.f32 v41, v28;
	v30 =	vadd.f32 $3.333333430e-01, v24  }
0x106: {  	v29 =	vadd.f32 v29, v43;
	v24 =	vld [tilespmem:s18+$0x690];
	v35 =	vmul.f32 v39, v38;
	(xrf2) =	vadd.scan.msk.f32 $0xffff, v20  }
0x107: {  	v36 =	vld [tilespmem:s18+$0x4680];
	v26, _, _ =	vpop (xrf2);
	v39 =	vadd.f32 $1.000000000e+00, v28;
	v28 =	vadd.f32 v32, v32;
	v30 =	vmul.f32 v30, v34  }
0x108: {  	v34 =	vmul.f32 v40, v31;
	v32 =	vld [tilespmem:s18+$0x4690];
	v37 =	vmul.f32 v37, v38  }
0x109: {  	v38 =	vld [tilespmem:s18+$0x660];
	(xrf2) =	vadd.scan.msk.f32 $0xffff, v29;
	v28 =	vmul.f32 v39, v28;
	v29 =	vadd.f32 $1.000000000e+00, v30;
	v30 =	vadd.f32 v33, v33  }
0x10a: {  	v27 =	vmin.f32 v27, $0.0e+00;
	v34 =	vadd.f32 v34, v35;
	v31 =	vmul.f32 v42, v31;
	v33 =	vld [tilespmem:s18+$0x670];
	v20, _, _ =	vpop (xrf2)  }
0x10b: {  	v35 =	vld [tilespmem:s18+$0x4660];
	v28 =	vsub.f32 v27, v28;
	v29 =	vmul.f32 v29, v30  }
0x10c: {  	v25 =	vmin.f32 v25, $0.0e+00;
	v31 =	vadd.f32 v31, v37;
	v30 =	vld [tilespmem:s18+$0x4670];
	(xrf2) =	vadd.scan.msk.f32 $0xffff, v34  }
0x10d: {  	v34 =	vld [tilespmem:s18+$0x8660];
	v27, _, _ =	vpop (xrf2);
	v3 =	vadd.f32 v28, v3;
	v25 =	vsub.f32 v25, v29  }
0x10e: {  	v37 =	vmul.f32 v36, v21;
	v32 =	vmul.f32 v32, v24;
	v28 =	vld [tilespmem:s18+$0x8670]  }
0x10f: {  	v36 =	vld [tilespmem:s18+$0x640];
	(xrf2) =	vadd.scan.msk.f32 $0xffff, v31;
	v3 =	vadd.f32 v25, v3  }
0x110: {  	v40 =	vadd.f32 v32, v37;
	v31 =	vld [tilespmem:s18+$0x650];
	v29, _, _ =	vpop (xrf2)  }
0x111: {  	v35 =	vmul.f32 v35, v38;
	v32 =	vld [tilespmem:s18+$0x4640];
	v30 =	vmul.f32 v30, v33  }
0x112: {  	v37 =	vld [tilespmem:s18+$0x4650];
	(xrf2) =	vadd.scan.msk.f32 $0xffff, v40  }
0x113: {  	v39 =	vld [tilespmem:s18+$0x8640];
	v40 =	vadd.f32 v30, v35;
	v25, _, _ =	vpop (xrf2)  }
0x114: {  	v34 =	vmul.f32 v34, v38;
	v28 =	vmul.f32 v28, v33;
	v35 =	vld [tilespmem:s18+$0x8650]  }
0x115: {  	v38 =	vld [tilespmem:s18+$0x600];
	(xrf2) =	vadd.scan.msk.f32 $0xffff, v40  }
0x116: {  	v40 =	vadd.f32 v28, v34;
	v41 =	vld [tilespmem:s18+$0x610];
	v30, _, _ =	vpop (xrf2)  }
0x117: {  	v32 =	vmul.f32 v32, v36;
	v33 =	vld [tilespmem:s18+$0x4600];
	v34 =	vmul.f32 v37, v31  }
0x118: {  	v37 =	vld [tilespmem:s18+$0x4610];
	(xrf2) =	vadd.scan.msk.f32 $0xffff, v40  }
0x119: {  	v42 =	vld [tilespmem:s18+$0x8600];
	v32 =	vadd.f32 v34, v32;
	v28, _, _ =	vpop (xrf2)  }
0x11a: {  	v36 =	vmul.f32 v39, v36;
	v39 =	vmul.f32 v35, v31;
	v43 =	vld [tilespmem:s18+$0x8610]  }
0x11b: {  	v34 =	vld [tilespmem:s18+$0x620];
	(xrf2) =	vadd.scan.msk.f32 $0xffff, v32  }
.Ltmp0:
0x11c: {  	v44 =	vadd.f32 v39, v36;
	v35 =	vld [tilespmem:s18+$0x630];
	v31, _, _ =	vpop (xrf2);
	(pc) =	sbr.rel @p0 .LBB2_2-.Ltmp0, $4  }
0x11d: {  	v33 =	vmul.f32 v33, v38;
	v39 =	vmul.f32 v37, v41;
	v36 =	vld [tilespmem:s18+$0x4620]  }
0x11e: {  	v37 =	vld [tilespmem:s18+$0x4630];
	(xrf2) =	vadd.scan.msk.f32 $0xffff, v44  }
0x11f: {  	v40 =	vadd.f32 v39, v33;
	v33 =	vld [tilespmem:s18+$0x87A0];
	v32, _, _ =	vpop (xrf2)  }
0x120: {  	s19 =	sadd.s32 $0x800, s19;
	v39 =	vmul.f32 v42, v38;
	v41 =	vmul.f32 v43, v41;
	v38 =	vld [tilespmem:s18+$0x8620]  }
0x121: {  	v42 =	vld [tilespmem:s18+$0x8630];
	_ =	sdelay $0x1  }
0x122: {  	v59 =	vld [tilespmem:s18+$0x8680]  }
0x123: {  	v44 =	vld [tilespmem:s18+$0x8690]  }
0x124: {  	v36 =	vmul.f32 v36, v34;
	v37 =	vmul.f32 v37, v35  }
0x125: {  	v62 =	vld [tilespmem:s18+$0x86E0];
	v39 =	vadd.f32 v41, v39;
	v60 =	vmul.f32 v38, v34;
	v61 =	vmul.f32 v42, v35  }
0x126: {  	(xrf2) =	vadd.scan.msk.f32 $0xffff, v40;
	v63 =	vld [tilespmem:s18+$0x86F0];
	v36 =	vadd.f32 v37, v36  }
0x127: {  	(xrf2) =	vadd.scan.msk.f32 $0xffff, v39;
	v34 =	vadd.f32 v61, v60  }
0x128: {  	v45 =	vld [tilespmem:s18+$0x8740];
	v21 =	vmul.f32 v59, v21;
	v24 =	vmul.f32 v44, v24;
	(xrf2) =	vadd.scan.msk.f32 $0xffff, v36  }
0x129: {  	v0 =	vmul.f32 v2, v0;
	v1 =	vmul.f32 v4, v1;
	v41 =	vld [tilespmem:s18+$0x8750];
	v42, _, _ =	vpop (xrf2);
	(xrf2) =	vadd.scan.msk.f32 $0xffff, v34  }
0x12a: {  	v50 =	vbroadcast v15, $0xF;
	v51 =	vbroadcast v18, $0xF;
	v46 =	vadd.f32 v24, v21  }
0x12b: {  	v13 =	vmul.f32 v62, v13;
	v14 =	vmul.f32 v63, v14;
	v44, _, _ =	vpop (xrf2)  }
0x12c: {  	v43 =	vld [tilespmem:s18+$0x87B0];
	v16 =	vbroadcast v16, $0xF;
	v52 =	vbroadcast v22, $0xF;
	v47, _, _ =	vpop (xrf2);
	(xrf2) =	vadd.scan.msk.f32 $0xffff, v46  }
0x12d: {  	v19 =	vbroadcast v19, $0xF;
	v53 =	vbroadcast v26, $0xF;
	v13 =	vadd.f32 v14, v13  }
0x12e: {  	v9 =	vmul.f32 v45, v9;
	v10 =	vmul.f32 v41, v10  }
0x12f: {  	v54 =	vbroadcast v23, $0xF;
	v56 =	vbroadcast v29, $0xF;
	(xrf2) =	vadd.scan.msk.f32 $0xffff, v13  }
0x130: {  	v57 =	vbroadcast v27, $0xF;
	v6 =	vmul.f32 v33, v6;
	v9 =	vadd.f32 v10, v9;
	v48, _, _ =	vpop (xrf2)  }
0x131: {  	v7 =	vmul.f32 v43, v7;
	v59 =	vbroadcast v31, $0xF;
	v55, _, _ =	vpop (xrf2)  }
0x132: {  	v62 =	vbroadcast v32, $0xF;
	v31 =	vbroadcast v42, $0xF;
	(xrf2) =	vadd.scan.msk.f32 $0xffff, v9;
	v58, _, _ =	vpop (xrf2)  }
0x133: {  	v6 =	vadd.f32 v7, v6;
	v49 =	vbroadcast v48, $0xF;
	v61 =	vbroadcast v55, $0xF;
	v63, _, _ =	vpop (xrf2)  }
0x134: {  	v26 =	vbroadcast v58, $0xF;
	v7 =	vbroadcast v63, $0xF  }
0x135: {  	v0 =	vadd.f32 v1, v0;
	v2 =	vbroadcast v44, $0xF;
	v21 =	vbroadcast v47, $0xF;
	(xrf2) =	vadd.scan.msk.f32 $0xffff, v6  }
0x136: {  	v60 =	vbroadcast v30, $0xF;
	v26 =	vsel vm0, v49, v26;
	v32, _, _ =	vpop (xrf2);
	v30 =	vsel vm0, v61, v7  }
0x137: {  	v1 =	vsel vm1, v26, v2;
	v34 =	vbroadcast v32, $0xF;
	v33 =	vsel vm1, v30, v21  }
0x138: {  	v35 =	vbroadcast v28, $0xF;
	v1 =	vsel vm2, v1, v62;
	v2 =	vsel vm2, v33, v31  }
0x139: {  	v36 =	vbroadcast v25, $0xF;
	(xrf2) =	vadd.scan.msk.f32 $0xffff, v0;
	v37, _, _ =	vpop (xrf2);
	v1 =	vsel vm3, v1, v59;
	v2 =	vsel vm3, v2, v34  }
0x13a: {  	v40 =	vbroadcast v37, $0xF;
	v38 =	vsel vm4, v1, v60;
	v39 =	vsel vm4, v2, v35  }
0x13b: {  	v41 =	vbroadcast v20, $0xF;
	v0 =	vsel vm5, v38, v56;
	v1 =	vsel vm5, v39, v36  }
0x13c: {  	v42 =	vbroadcast v17, $0xF;
	v43, _, _ =	vpop (xrf2);
	v0 =	vsel vm6, v0, v57;
	v1 =	vsel vm6, v1, v40  }
0x13d: {  	v44 =	vbroadcast v43, $0xF;
	v0 =	vsel vm7, v0, v53;
	v1 =	vsel vm7, v1, v41  }
0x13e: {  	v45 =	vbroadcast v12, $0xF;
	v0 =	vsel vm8, v0, v54;
	v1 =	vsel vm8, v1, v42  }
0x13f: {  	v46 =	vbroadcast v11, $0xF;
	v0 =	vsel vm9, v0, v52;
	v47, _, _ =	vpop (xrf2);
	v1 =	vsel vm9, v1, v44  }
0x140: {  	v0 =	vsel vm10, v0, v19;
	v48 =	vbroadcast v47, $0xF;
	v1 =	vsel vm10, v1, v45  }
0x141: {  	v49 =	vbroadcast v8, $0xF;
	v0 =	vsel vm11, v0, v51;
	v1 =	vsel vm11, v1, v46  }
0x142: {  	v0 =	vsel vm12, v0, v16;
	v1 =	vsel vm12, v1, v48  }
0x143: {  	v0 =	vsel vm13, v0, v50;
	v50, _, _ =	vpop (xrf2);
	v1 =	vsel vm13, v1, v49  }
0x144: {  	v0 =	vsel vm14, v0, v5;
	v1 =	vsel vm14, v1, v50  }
0x145: {  	v51 =	vand.u32 $0x7FFFFFFF, v0;
	v1 =	vsub.f32 $0.0e+00, v1  }
0x146: {  	v2 =	vsub.f32 $0.0e+00, v51  }
0x147: {  	v52 =	vand.u32 $0x7FFFFFFF, v1  }
0x148: {  	v2 =	vmul.f32 $1.442695020e+00, v2;
	v4 =	vsub.f32 $0.0e+00, v52;
	_ =	sdelay $0x1  }
0x149: {  	(erf) = vpow2.f32 v2;
	v4 =	vmul.f32 $1.442695020e+00, v4;
	_ =	sdelay $0x1  }
0x14a: {  	(erf) = vpow2.f32 v4;
	_ =	sdelay $0x6  }
0x14b: {  	v2 =	vpop (erf)  }
0x14c: {  	v53 =	vadd.f32 $2.000000000e+00, v2  }
0x14d: {  	v54 =	vpop (erf)  }
0x14e: {  	(erf) = vrcp.f32 v53;
	v55 =	vadd.f32 $2.000000000e+00, v54;
	_ =	sdelay $0x1  }
0x14f: {  	(erf) = vrcp.f32 v55;
	_ =	sdelay $0x6  }
0x150: {  	v4 =	vpop (erf)  }
0x151: {  	v2 =	vmul.f32 v4, v2  }
0x152: {  	v56 =	vpop (erf)  }
0x153: {  	v57 =	vmul.f32 v2, v2;
	v4 =	vmul.f32 v56, v54;
	_ =	sdelay $0x1  }
0x154: {  	v58 =	vmul.f32 $1.111111120e-01, v57;
	v59 =	vmul.f32 v4, v4;
	_ =	sdelay $0x1  }
0x155: {  	v5 =	vadd.f32 $1.428571490e-01, v58;
	v60 =	vmul.f32 $1.111111120e-01, v59;
	_ =	sdelay $0x1  }
0x156: {  	v5 =	vmul.f32 v5, v57;
	v8 =	vadd.f32 $1.428571490e-01, v60;
	_ =	sdelay $0x1  }
0x157: {  	v5 =	vadd.f32 $2.000000030e-01, v5;
	v8 =	vmul.f32 v8, v59;
	_ =	sdelay $0x1  }
0x158: {  	v5 =	vmul.f32 v5, v57;
	v8 =	vadd.f32 $2.000000030e-01, v8;
	_ =	sdelay $0x1  }
0x159: {  	v5 =	vadd.f32 $3.333333430e-01, v5;
	v8 =	vmul.f32 v8, v59;
	_ =	sdelay $0x1  }
0x15a: {  	v5 =	vmul.f32 v5, v57;
	v61 =	vadd.f32 $3.333333430e-01, v8;
	_ =	sdelay $0x1  }
0x15b: {  	v2 =	vadd.f32 v2, v2;
	v5 =	vadd.f32 $1.000000000e+00, v5;
	v6 =	vmul.f32 v61, v59;
	_ =	sdelay $0x1  }
0x15c: {  	v4 =	vadd.f32 v4, v4;
	v2 =	vmul.f32 v5, v2;
	v62 =	vadd.f32 $1.000000000e+00, v6  }
0x15d: {  	v0 =	vmin.f32 v0, $0.0e+00  }
0x15e: {  	v0 =	vsub.f32 v0, v2;
	v63 =	vmul.f32 v62, v4  }
0x15f: {  	v1 =	vmin.f32 v1, $0.0e+00  }
0x160: {  	v0 =	vadd.f32 v0, v3;
	v1 =	vsub.f32 v1, v63;
	_ =	sdelay $0x1  }
0x161: {  	s17 =	sadd.s32 $0x1, s17;
	v0 =	vadd.f32 v1, v0  }
0x162: {  	p0 =	sne.s32 s17, s9  }
.Ltmp1:
0x163: {  	[tilespmem:$0xC600] =	vst v0;
	(pc) =	sbr.rel @p0 .LBB2_1-.Ltmp1, $4  }
0x164: {  	[hbm4b:s8+s2] =	stream.linear.scatter [tilespmem:s16], [sflag:$0x2], $0x10, $0x38;
	[tilespmem:$0xC610] =	vst v63  }
0x165: {  	_ =	swait.ge [sflag:s10], $0x10  }
0x166: {  	[sflag:s10] =	ssyncset.done $0x0  }
0x167: {  	[sflag:s10] =	ssyncadd.s32 $0xFFFFFFF0  }
0x168: {  	_ =	sfence.sel $0x180000  }
0x169: {  	[bflag:$0x0] =	sbarrier.arrive $0xFFFF  }
0x16a: {  	_ =	strace $0x90000047  }
0x16b: {  	s0 =	stileid.u32;
	[bflag:$0x2] =	sbarrier.arrive $0xFFFF  }
0x16c: {  	p0 =	sne.s32 s0, $0x0;
	s0 =	rddreg [dreg:$0x4]  }
0x16d: {  	s0 =	sadd.s32 @!p0 $0x100000, s0  }
0x16e: {  	[sflag:s0] =	ssyncadd.tile.s32 @!p0 $0x1;
	_ =	shalt  }
.Lfunc_end2:
_tile_overlayer_lowered:
.L_overlay_start_2:
0x16f: {  	(tag) =	ssettag $0x2  }
0x170: {  	s0 =	rddreg [dreg:$0x0];
	s2 =	stileid.u32  }
0x171: {  	s1 =	rddreg [dreg:$0x1];
	p0 =	sne.s32 s2, $0x0  }
0x172: {  	s3 =	rddreg [dreg:$0x2];
	[bflag:$0x3] =	sbarrier.arrive $0xFFFF;
	s2 =	simm.s32 @!p0 $0x1C02  }
0x173: {  	[timem:s3], [sflag:s2] =	dma.local @!p0 [hbm:s0], s1  }
0x174: {  	s0 =	simm.s32 @!p0 $0x2  }
0x175: {  	_ =	swait.ge @!p0 [sflag:s0], s1  }
0x176: {  	s1 =	ssub.s32 @!p0 $0x0, s1;
	[sflag:s0] =	ssyncset.done @!p0 $0x0  }
0x177: {  	[sflag:s0] =	ssyncadd.s32 @!p0 s1  }
0x178: {  	[bflag:$0x3] =	sbarrier.arrive $0xFFFF  }
0x179: {  	_ =	shalt  }

</sc_bundles>
